<compile_context>
chip_gen: v7x
topology: tpu7x:2x2x1
jax: 0.10.2.dev20260603
libtpu: 0.0.44.dev20260713+nightly
codegen_flags: <defaults>
</compile_context>

<pallas_src>
import functools

import jax
import jax.numpy as jnp
from jax import lax
from jax.experimental import pallas as pl
from jax.experimental.pallas import tpu as pltpu
from jax.experimental.pallas import tpu_sc as plsc

N = 10000
H = 128
E = 320000

NPAD = 10112
NW = 32
CH = 128
NCH = 80
TPT = NCH * CH
EP = NW * TPT
RPT = NPAD // 16
NDEG = 10240
RPTD = NDEG // 16
BR = 5056
GRID = NPAD // BR

_mesh = plsc.VectorSubcoreMesh(core_axis_name="c", subcore_axis_name="s",
                               num_cores=2, num_subcores=16)



@functools.partial(
    pl.kernel,
    out_type=[jax.ShapeDtypeStruct((NDEG,), jnp.float32),
              jax.ShapeDtypeStruct((NDEG,), jnp.float32)],
    mesh=_mesh,
    scratch_types=[
        pltpu.VMEM((NCH, CH), jnp.int32),
        pltpu.VMEM((CH,), jnp.float32),
        pltpu.VMEM_SHARED((NDEG,), jnp.float32),
        pltpu.SemaphoreType.DMA,
    ],
)
def _deg_kernel(dstm, ones_hbm, zeros_hbm, out0, out1, idx_d, ones_v, acc,
                sem):
    cid = lax.axis_index("c")
    sid = lax.axis_index("s")
    wid = cid * 16 + sid
    pltpu.sync_copy(zeros_hbm, acc.at[pl.ds(sid * RPTD, RPTD)])
    pltpu.sync_copy(ones_hbm, ones_v)
    pltpu.sync_copy(dstm.at[pl.ds(wid * NCH, NCH)], idx_d)
    plsc.subcore_barrier()

    def body(i, carry):
        pltpu.async_copy(ones_v, acc.at[idx_d.at[i]], sem, add=True)
        return carry

    lax.fori_loop(0, NCH, body, 0)

    def drain(i, carry):
        pltpu.make_async_copy(ones_v, acc.at[idx_d.at[i]], sem).wait()
        return carry

    lax.fori_loop(0, NCH, drain, 0)
    plsc.subcore_barrier()

    @pl.when(cid == 0)
    def _():
        pltpu.sync_copy(acc.at[pl.ds(sid * RPTD, RPTD)],
                        out0.at[pl.ds(sid * RPTD, RPTD)])

    @pl.when(cid == 1)
    def _():
        pltpu.sync_copy(acc.at[pl.ds(sid * RPTD, RPTD)],
                        out1.at[pl.ds(sid * RPTD, RPTD)])



@functools.partial(
    pl.kernel,
    out_type=jax.ShapeDtypeStruct((2, NPAD, H), jnp.float32),
    mesh=_mesh,
    scratch_types=[
        pltpu.VMEM((NCH, CH), jnp.int32),
        pltpu.VMEM((CH,), jnp.int32),
        pltpu.VMEM((CH,), jnp.int32),
        pltpu.VMEM((CH, H), jnp.float32),
        pltpu.VMEM((CH, H), jnp.float32),
        pltpu.VMEM_SHARED((NPAD, H), jnp.float32),
        pltpu.SemaphoreType.DMA,
        pltpu.SemaphoreType.DMA,
        pltpu.SemaphoreType.DMA,
        pltpu.SemaphoreType.DMA,
    ],
)
def _agg_kernel(h1s, srcm, dst1, zeros_hbm, out, idx_s, idx_d0, idx_d1,
                rows0, rows1, acc, sem0, sem1, semi0, semi1):
    cid = lax.axis_index("c")
    sid = lax.axis_index("s")
    wid = cid * 16 + sid
    base = wid * TPT
    @pl.when(cid == 0)
    def _():
        pltpu.sync_copy(h1s.at[pl.ds(sid * RPT, RPT)],
                        acc.at[pl.ds(sid * RPT, RPT)])

    @pl.when(cid == 1)
    def _():
        pltpu.sync_copy(zeros_hbm, acc.at[pl.ds(sid * RPT, RPT)])
    pltpu.sync_copy(srcm.at[pl.ds(wid * NCH, NCH)], idx_s)
    plsc.subcore_barrier()

    pltpu.async_copy(h1s.at[idx_s.at[0]], rows0, sem0)
    pltpu.async_copy(dst1.at[pl.ds(base, CH)], idx_d0, semi0)

    def body(j, carry):
        i0 = 2 * j
        pltpu.async_copy(h1s.at[idx_s.at[i0 + 1]], rows1, sem1)
        pltpu.async_copy(dst1.at[pl.ds(base + (i0 + 1) * CH, CH)], idx_d1,
                         semi1)
        pltpu.make_async_copy(h1s.at[idx_s.at[i0]], rows0, sem0).wait()
        pltpu.make_async_copy(dst1.at[pl.ds(base, CH)], idx_d0, semi0).wait()
        pltpu.sync_copy(rows0, acc.at[idx_d0], add=True)

        @pl.when(i0 + 2 < NCH)
        def _():
            pltpu.async_copy(h1s.at[idx_s.at[i0 + 2]], rows0, sem0)
            pltpu.async_copy(dst1.at[pl.ds(base + (i0 + 2) * CH, CH)], idx_d0,
                             semi0)

        pltpu.make_async_copy(h1s.at[idx_s.at[i0 + 1]], rows1, sem1).wait()
        pltpu.make_async_copy(dst1.at[pl.ds(base, CH)], idx_d1, semi1).wait()
        pltpu.sync_copy(rows1, acc.at[idx_d1], add=True)
        return carry

    lax.fori_loop(0, NCH // 2, body, 0)
    plsc.subcore_barrier()
    pltpu.sync_copy(acc.at[pl.ds(sid * RPT, RPT)],
                    out.at[cid, pl.ds(sid * RPT, RPT)])



def _prep_body(x_ref, w0_ref, degb0_ref, degb1_ref, t_ref, wg1_ref, bg1_ref,
               wg2_ref, bg2_ref, h1s_ref, dinvb_ref, gate_ref):
    pid = pl.program_id(0)
    deg = degb0_ref[...] + degb1_ref[...] + 1.0
    rows = jax.lax.broadcasted_iota(jnp.int32, (BR, H), 0) + pid * BR
    dinv = jnp.where(rows < N, jax.lax.rsqrt(deg), 0.0)
    mm = jax.lax.dot_general(x_ref[...], w0_ref[...], (((1,), (1,)), ((), ())),
                             preferred_element_type=jnp.float32)
    h1s_ref[...] = jnp.where(rows < N, dinv * mm, 0.0)
    dinvb_ref[...] = dinv
    t = t_ref[0, 0]
    g = jnp.tanh(t * wg1_ref[...] + bg1_ref[...])
    gate_ref[...] = jax.nn.sigmoid(
        jax.lax.dot_general(g, wg2_ref[...], (((1,), (1,)), ((), ())),
                            preferred_element_type=jnp.float32) + bg2_ref[...])


_prep_call = pl.pallas_call(
    _prep_body,
    grid=(GRID,),
    in_specs=[
        pl.BlockSpec((BR, H), lambda i: (i, 0)),
        pl.BlockSpec((H, H), lambda i: (0, 0)),
        pl.BlockSpec((BR, H), lambda i: (i, 0)),
        pl.BlockSpec((BR, H), lambda i: (i, 0)),
        pl.BlockSpec((1, 1), lambda i: (0, 0)),
        pl.BlockSpec((1, H), lambda i: (0, 0)),
        pl.BlockSpec((1, H), lambda i: (0, 0)),
        pl.BlockSpec((H, H), lambda i: (0, 0)),
        pl.BlockSpec((1, H), lambda i: (0, 0)),
    ],
    out_specs=[
        pl.BlockSpec((BR, H), lambda i: (i, 0)),
        pl.BlockSpec((BR, H), lambda i: (i, 0)),
        pl.BlockSpec((1, H), lambda i: (0, 0)),
    ],
    out_shape=[
        jax.ShapeDtypeStruct((NPAD, H), jnp.float32),
        jax.ShapeDtypeStruct((NPAD, H), jnp.float32),
        jax.ShapeDtypeStruct((1, H), jnp.float32),
    ],
)


def _layer_body(agg_ref, dinvb_ref, gate_ref, b_ref, w_ref, out_ref):
    s = agg_ref[0] + agg_ref[1]
    h = gate_ref[...] * jnp.maximum(dinvb_ref[...] * s + b_ref[...], 0.0)
    out_ref[...] = dinvb_ref[...] * jax.lax.dot_general(
        h, w_ref[...], (((1,), (1,)), ((), ())),
        preferred_element_type=jnp.float32)


_layer_call = pl.pallas_call(
    _layer_body,
    grid=(GRID,),
    in_specs=[
        pl.BlockSpec((2, BR, H), lambda i: (0, i, 0)),
        pl.BlockSpec((BR, H), lambda i: (i, 0)),
        pl.BlockSpec((1, H), lambda i: (0, 0)),
        pl.BlockSpec((1, H), lambda i: (0, 0)),
        pl.BlockSpec((H, H), lambda i: (0, 0)),
    ],
    out_specs=pl.BlockSpec((BR, H), lambda i: (i, 0)),
    out_shape=jax.ShapeDtypeStruct((NPAD, H), jnp.float32),
)


def _final_body(agg_ref, dinvb_ref, gate_ref, b_ref, out_ref):
    s = agg_ref[0] + agg_ref[1]
    out_ref[...] = gate_ref[...] * jnp.maximum(
        dinvb_ref[...] * s + b_ref[...], 0.0)


BRF = 2000

_final_call = pl.pallas_call(
    _final_body,
    grid=(N // BRF,),
    in_specs=[
        pl.BlockSpec((2, BRF, H), lambda i: (0, i, 0)),
        pl.BlockSpec((BRF, H), lambda i: (i, 0)),
        pl.BlockSpec((1, H), lambda i: (0, 0)),
        pl.BlockSpec((1, H), lambda i: (0, 0)),
    ],
    out_specs=pl.BlockSpec((BRF, H), lambda i: (i, 0)),
    out_shape=jax.ShapeDtypeStruct((N, H), jnp.float32),
)



def kernel(x, edge_index, timestamp, W0, b0, W1, b1, W2, b2, Wg1, bg1, Wg2, bg2):
    src = edge_index[0]
    dst = edge_index[1]
    pad_idx = N + (jnp.arange(EP - E, dtype=jnp.int32) % (NPAD - N))
    srcm = jnp.concatenate([src, pad_idx]).reshape(NW * NCH, CH)
    dst1 = jnp.concatenate([dst, pad_idx])
    dstm = dst1.reshape(NW * NCH, CH)
    zeros_h = jnp.zeros((RPT, H), jnp.float32)
    zeros_1 = jnp.zeros((RPTD,), jnp.float32)
    ones_1 = jnp.ones((CH,), jnp.float32)
    t = timestamp.reshape(1, 1)
    wg1r = Wg1.reshape(1, H)
    bg1r = bg1.reshape(1, H)
    bg2r = bg2.reshape(1, H)
    b0r = b0.reshape(1, H)
    b1r = b1.reshape(1, H)
    b2r = b2.reshape(1, H)

    deg0, deg1 = _deg_kernel(dstm, ones_1, zeros_1)
    degb0 = jnp.broadcast_to(deg0[:NPAD, None], (NPAD, H))
    degb1 = jnp.broadcast_to(deg1[:NPAD, None], (NPAD, H))
    h1s0, dinvb, gate = _prep_call(x, W0, degb0, degb1, t, wg1r, bg1r,
                                   Wg2, bg2r)
    agg0 = _agg_kernel(h1s0, srcm, dst1, zeros_h)
    h1s1 = _layer_call(agg0, dinvb, gate, b0r, W1)
    agg1 = _agg_kernel(h1s1, srcm, dst1, zeros_h)
    h1s2 = _layer_call(agg1, dinvb, gate, b1r, W2)
    agg2 = _agg_kernel(h1s2, srcm, dst1, zeros_h)
    return _final_call(agg2, dinvb, gate, b2r)

# --- scband reference (transcript-rebuilt; emitter-appended) ---
"""Pipeline reference for scband-dynamic-gcn-43267500540702 (READ-ONLY COPY).

The authoritative reference and input builder live on the scoring server;
editing this copy changes nothing except your own understanding.
"""

import jax, jax.numpy as jnp
import numpy as np

N = 10000
E = 320000
D = 128
H = 128


def gcn_conv(x, src, dst, W, b, num_nodes):
    # PyG GCNConv default: add self-loops, symmetric normalization, linear, sum-aggregate, bias
    loop = jnp.arange(num_nodes, dtype=src.dtype)
    src_f = jnp.concatenate([src, loop])
    dst_f = jnp.concatenate([dst, loop])
    deg = jnp.zeros((num_nodes,), dtype=x.dtype).at[dst_f].add(1.0)
    dinv = jnp.where(deg > 0, deg ** -0.5, 0.0)
    norm = dinv[src_f] * dinv[dst_f]
    h = x @ W.T
    msg = h[src_f] * norm[:, None]
    out = jnp.zeros((num_nodes, h.shape[1]), dtype=x.dtype).at[dst_f].add(msg)
    return out + b


def setup_inputs(seed: int = 0):
    key = jax.random.key(seed)
    ks = jax.random.split(key, 12)
    inp = {}
    inp["x"] = jax.random.normal(ks[0], (N, D), dtype=jnp.float32)
    inp["edge_index"] = jax.random.randint(ks[1], (2, E), 0, N, dtype=jnp.int32)
    inp["timestamp"] = jax.random.uniform(ks[2], (1,), dtype=jnp.float32)
    # GCN layer params (layer i: weight [H, in], bias [H])
    inp["W0"] = jax.random.normal(ks[3], (H, D), dtype=jnp.float32) * 0.05
    inp["b0"] = jnp.zeros((H,), dtype=jnp.float32)
    inp["W1"] = jax.random.normal(ks[4], (H, H), dtype=jnp.float32) * 0.05
    inp["b1"] = jnp.zeros((H,), dtype=jnp.float32)
    inp["W2"] = jax.random.normal(ks[5], (H, H), dtype=jnp.float32) * 0.05
    inp["b2"] = jnp.zeros((H,), dtype=jnp.float32)
    # temporal gate: Linear(1,H) -> tanh -> Linear(H,H) -> sigmoid
    inp["Wg1"] = jax.random.normal(ks[6], (H, 1), dtype=jnp.float32) * 0.5
    inp["bg1"] = jnp.zeros((H,), dtype=jnp.float32)
    inp["Wg2"] = jax.random.normal(ks[7], (H, H), dtype=jnp.float32) * 0.05
    inp["bg2"] = jnp.zeros((H,), dtype=jnp.float32)
    return inp


def reference(x, edge_index, timestamp, W0, b0, W1, b1, W2, b2, Wg1, bg1, Wg2, bg2):
    src = edge_index[0]
    dst = edge_index[1]
    t = timestamp.reshape(1, 1)
    g = jnp.tanh(t @ Wg1.T + bg1)
    gate = jax.nn.sigmoid(g @ Wg2.T + bg2)  # [1, H]
    gate = jnp.broadcast_to(gate, (x.shape[0], H))
    h = x
    for (W, b) in ((W0, b0), (W1, b1), (W2, b2)):
        h = gcn_conv(h, src, dst, W, b, N)
        h = jax.nn.relu(h)
        h = h * gate
        # dropout p=0.0 -> identity
    return h

if __name__ == "__main__":
    import jax
    _d = setup_inputs()
    print(jax.jit(kernel)(*tuple(_d.values())))

</pallas_src>

<mosaic_0001>
#map = affine_map<(d0, d1) -> (0, 0)>
#map1 = affine_map<(d0, d1) -> (0)>
module attributes {stable_mosaic.version = 14 : i64} {
  func.func @_deg_kernel(%arg0: i32, %arg1: i32, %arg2: memref<2560x128xi32, #tpu.memory_space<hbm>>, %arg3: memref<128xf32, #tpu.memory_space<hbm>>, %arg4: memref<640xf32, #tpu.memory_space<hbm>>, %arg5: memref<10240xf32, #tpu.memory_space<hbm>>, %arg6: memref<10240xf32, #tpu.memory_space<hbm>>, %arg7: memref<80x128xi32, #tpu.memory_space<vmem>>, %arg8: memref<128xf32, #tpu.memory_space<vmem>>, %arg9: memref<10240xf32, #tpu.memory_space<vmem_shared>>, %arg10: memref<!tpu.dma_semaphore, #tpu.memory_space<semaphore_mem>>) attributes {dimension_semantics = [#tpu.dimension_semantics<core_parallel>, #tpu.dimension_semantics<subcore_parallel>], iteration_bounds = array<i64: 2, 16>, scalar_prefetch = 0 : i64, scratch_operands = 4 : i64, tpu.core_type = #tpu.core_type<sc_vector_subcore>, window_params = [{transform_indices = #map}, {transform_indices = #map1}, {transform_indices = #map1}, {transform_indices = #map1}, {transform_indices = #map1}]} {
    %mul3A = arith.constant 16 : i32
    %mul3A_0 = arith.muli %arg0, %mul3A : i32
    %add3A = arith.addi %mul3A_0, %arg1 : i32
    %mul3A_1 = arith.constant 640 : i32
    %mul3A_2 = arith.muli %arg1, %mul3A_1 : i32
    "tpu.region"() ({
      %run_scoped3A = tpu.sem_alloc : memref<!tpu.dma_semaphore, #tpu.memory_space<semaphore_mem>>
      %dma_start3A = tpu.memref_slice %arg9[%mul3A_2] : memref<10240xf32, #tpu.memory_space<vmem_shared>> -> memref<640xf32, #tpu.memory_space<vmem_shared>>
      tpu.enqueue_dma source(%arg4 : memref<640xf32, #tpu.memory_space<hbm>>) target(%dma_start3A : memref<640xf32, #tpu.memory_space<vmem_shared>>) target_semaphore(%run_scoped3A : memref<!tpu.dma_semaphore, #tpu.memory_space<semaphore_mem>>)
      %dma_wait3A = tpu.memref_slice %arg9[%mul3A_2] : memref<10240xf32, #tpu.memory_space<vmem_shared>> -> memref<640xf32, #tpu.memory_space<vmem_shared>>
      tpu.wait_dma2 semaphore(%run_scoped3A : memref<!tpu.dma_semaphore, #tpu.memory_space<semaphore_mem>>) src(%arg4 : memref<640xf32, #tpu.memory_space<hbm>>) dst(%dma_wait3A : memref<640xf32, #tpu.memory_space<vmem_shared>>)
      tpu.yield
    }) : () -> ()
    "tpu.region"() ({
      %run_scoped3A = tpu.sem_alloc : memref<!tpu.dma_semaphore, #tpu.memory_space<semaphore_mem>>
      tpu.enqueue_dma source(%arg3 : memref<128xf32, #tpu.memory_space<hbm>>) target(%arg8 : memref<128xf32, #tpu.memory_space<vmem>>) target_semaphore(%run_scoped3A : memref<!tpu.dma_semaphore, #tpu.memory_space<semaphore_mem>>)
      tpu.wait_dma2 semaphore(%run_scoped3A : memref<!tpu.dma_semaphore, #tpu.memory_space<semaphore_mem>>) src(%arg3 : memref<128xf32, #tpu.memory_space<hbm>>) dst(%arg8 : memref<128xf32, #tpu.memory_space<vmem>>)
      tpu.yield
    }) : () -> ()
    %mul3A_3 = arith.constant 80 : i32
    %mul3A_4 = arith.muli %add3A, %mul3A_3 : i32
    "tpu.region"() ({
      %run_scoped3A = tpu.sem_alloc : memref<!tpu.dma_semaphore, #tpu.memory_space<semaphore_mem>>
      %dma_start3A = arith.constant 0 : i32
      %dma_start3A_24 = tpu.memref_slice %arg2[%mul3A_4, %dma_start3A] : memref<2560x128xi32, #tpu.memory_space<hbm>> -> memref<80x128xi32, #tpu.memory_space<hbm>>
      %dma_start3A_25 = arith.constant 0 : i32
      %dma_start3A_26 = tpu.memref_slice %arg2[%mul3A_4, %dma_start3A_25] : memref<2560x128xi32, #tpu.memory_space<hbm>> -> memref<80x128xi32, #tpu.memory_space<hbm>>
      tpu.enqueue_dma source(%dma_start3A_26 : memref<80x128xi32, #tpu.memory_space<hbm>>) target(%arg7 : memref<80x128xi32, #tpu.memory_space<vmem>>) target_semaphore(%run_scoped3A : memref<!tpu.dma_semaphore, #tpu.memory_space<semaphore_mem>>)
      %dma_wait3A = arith.constant 0 : i32
      %dma_wait3A_27 = tpu.memref_slice %arg2[%mul3A_4, %dma_wait3A] : memref<2560x128xi32, #tpu.memory_space<hbm>> -> memref<80x128xi32, #tpu.memory_space<hbm>>
      %dma_wait3A_28 = arith.constant 0 : i32
      %dma_wait3A_29 = tpu.memref_slice %arg2[%mul3A_4, %dma_wait3A_28] : memref<2560x128xi32, #tpu.memory_space<hbm>> -> memref<80x128xi32, #tpu.memory_space<hbm>>
      tpu.wait_dma2 semaphore(%run_scoped3A : memref<!tpu.dma_semaphore, #tpu.memory_space<semaphore_mem>>) src(%dma_wait3A_29 : memref<80x128xi32, #tpu.memory_space<hbm>>) dst(%arg7 : memref<80x128xi32, #tpu.memory_space<vmem>>)
      tpu.yield
    }) : () -> ()
    %barrier3A = arith.constant 0 : index
    tpu.barrier barrier_id(%barrier3A)
    %scan3A = arith.constant 0 : i32
    %scan3A_5 = arith.constant 0 : i32
    %scan3A_6 = arith.constant 80 : i32
    %scan3A_7 = arith.addi %scan3A_5, %scan3A_6 : i32
    %scan3A_8 = arith.constant 1 : i32
    scf.for %scan3A_24 = %scan3A_5 to %scan3A_7 step %scan3A_8  : i32 {
      %dma_start3A = arith.constant 0 : i32
      %dma_start3A_25 = tpu.memref_slice %arg7[%scan3A_24, %dma_start3A] : memref<80x128xi32, #tpu.memory_space<vmem>> -> memref<1x128xi32, #tpu.memory_space<vmem>>
      %dma_start3A_26 = tpu.memref_squeeze %dma_start3A_25 : memref<1x128xi32, #tpu.memory_space<vmem>> -> memref<128xi32, #tpu.memory_space<vmem>>
      %dma_start3A_27 = arith.constant 0 : i32
      %dma_start3A_28 = tpu.memref_slice %arg9[%dma_start3A_27] : memref<10240xf32, #tpu.memory_space<vmem_shared>> -> memref<10240xf32, #tpu.memory_space<vmem_shared>>
      tpu.enqueue_indirect_dma source(%arg8 : memref<128xf32, #tpu.memory_space<vmem>>) target(%dma_start3A_28 : memref<10240xf32, #tpu.memory_space<vmem_shared>>) offsets(%dma_start3A_26 : memref<128xi32, #tpu.memory_space<vmem>>) semaphore(%arg10 : memref<!tpu.dma_semaphore, #tpu.memory_space<semaphore_mem>>) {add = true}
    }
    %scan3A_9 = arith.constant 80 : i32
    %scan3A_10 = arith.constant 0 : i32
    %scan3A_11 = arith.constant 0 : i32
    %scan3A_12 = arith.constant 80 : i32
    %scan3A_13 = arith.addi %scan3A_11, %scan3A_12 : i32
    %scan3A_14 = arith.constant 1 : i32
    scf.for %scan3A_24 = %scan3A_11 to %scan3A_13 step %scan3A_14  : i32 {
      %dma_wait3A = arith.constant 0 : i32
      %dma_wait3A_25 = tpu.memref_slice %arg7[%scan3A_24, %dma_wait3A] : memref<80x128xi32, #tpu.memory_space<vmem>> -> memref<1x128xi32, #tpu.memory_space<vmem>>
      %dma_wait3A_26 = tpu.memref_squeeze %dma_wait3A_25 : memref<1x128xi32, #tpu.memory_space<vmem>> -> memref<128xi32, #tpu.memory_space<vmem>>
      %dma_wait3A_27 = arith.constant 0 : i32
      %dma_wait3A_28 = tpu.memref_slice %arg9[%dma_wait3A_27] : memref<10240xf32, #tpu.memory_space<vmem_shared>> -> memref<10240xf32, #tpu.memory_space<vmem_shared>>
      tpu.wait_indirect_dma semaphore(%arg10 : memref<!tpu.dma_semaphore, #tpu.memory_space<semaphore_mem>>) src(%arg8 : memref<128xf32, #tpu.memory_space<vmem>>) dst(%dma_wait3A_28 : memref<10240xf32, #tpu.memory_space<vmem_shared>>)
    }
    %scan3A_15 = arith.constant 80 : i32
    %barrier3A_16 = arith.constant 0 : index
    tpu.barrier barrier_id(%barrier3A_16)
    %eq3A = arith.constant 0 : i32
    %eq3A_17 = arith.cmpi eq, %arg0, %eq3A : i32
    %convert_element_type3A = arith.extui %eq3A_17 : i1 to i32
    %cond3A = arith.constant 0 : i32
    %cond3A_18 = arith.cmpi ne, %convert_element_type3A, %cond3A : i32
    scf.if %cond3A_18 {
      %mul3A_24 = arith.constant 640 : i32
      %mul3A_25 = arith.muli %arg1, %mul3A_24 : i32
      %mul3A_26 = arith.constant 640 : i32
      %mul3A_27 = arith.muli %arg1, %mul3A_26 : i32
      "tpu.region"() ({
        %run_scoped3A = tpu.sem_alloc : memref<!tpu.dma_semaphore, #tpu.memory_space<semaphore_mem>>
        %dma_start3A = tpu.memref_slice %arg5[%mul3A_27] : memref<10240xf32, #tpu.memory_space<hbm>> -> memref<640xf32, #tpu.memory_space<hbm>>
        %dma_start3A_28 = tpu.memref_slice %arg9[%mul3A_25] : memref<10240xf32, #tpu.memory_space<vmem_shared>> -> memref<640xf32, #tpu.memory_space<vmem_shared>>
        tpu.enqueue_dma source(%dma_start3A_28 : memref<640xf32, #tpu.memory_space<vmem_shared>>) target(%dma_start3A : memref<640xf32, #tpu.memory_space<hbm>>) target_semaphore(%run_scoped3A : memref<!tpu.dma_semaphore, #tpu.memory_space<semaphore_mem>>)
        %dma_wait3A = tpu.memref_slice %arg5[%mul3A_27] : memref<10240xf32, #tpu.memory_space<hbm>> -> memref<640xf32, #tpu.memory_space<hbm>>
        %dma_wait3A_29 = tpu.memref_slice %arg9[%mul3A_25] : memref<10240xf32, #tpu.memory_space<vmem_shared>> -> memref<640xf32, #tpu.memory_space<vmem_shared>>
        tpu.wait_dma2 semaphore(%run_scoped3A : memref<!tpu.dma_semaphore, #tpu.memory_space<semaphore_mem>>) src(%dma_wait3A_29 : memref<640xf32, #tpu.memory_space<vmem_shared>>) dst(%dma_wait3A : memref<640xf32, #tpu.memory_space<hbm>>)
        tpu.yield
      }) : () -> ()
    } else {
    }
    %eq3A_19 = arith.constant 1 : i32
    %eq3A_20 = arith.cmpi eq, %arg0, %eq3A_19 : i32
    %convert_element_type3A_21 = arith.extui %eq3A_20 : i1 to i32
    %cond3A_22 = arith.constant 0 : i32
    %cond3A_23 = arith.cmpi ne, %convert_element_type3A_21, %cond3A_22 : i32
    scf.if %cond3A_23 {
      %mul3A_24 = arith.constant 640 : i32
      %mul3A_25 = arith.muli %arg1, %mul3A_24 : i32
      %mul3A_26 = arith.constant 640 : i32
      %mul3A_27 = arith.muli %arg1, %mul3A_26 : i32
      "tpu.region"() ({
        %run_scoped3A = tpu.sem_alloc : memref<!tpu.dma_semaphore, #tpu.memory_space<semaphore_mem>>
        %dma_start3A = tpu.memref_slice %arg6[%mul3A_27] : memref<10240xf32, #tpu.memory_space<hbm>> -> memref<640xf32, #tpu.memory_space<hbm>>
        %dma_start3A_28 = tpu.memref_slice %arg9[%mul3A_25] : memref<10240xf32, #tpu.memory_space<vmem_shared>> -> memref<640xf32, #tpu.memory_space<vmem_shared>>
        tpu.enqueue_dma source(%dma_start3A_28 : memref<640xf32, #tpu.memory_space<vmem_shared>>) target(%dma_start3A : memref<640xf32, #tpu.memory_space<hbm>>) target_semaphore(%run_scoped3A : memref<!tpu.dma_semaphore, #tpu.memory_space<semaphore_mem>>)
        %dma_wait3A = tpu.memref_slice %arg6[%mul3A_27] : memref<10240xf32, #tpu.memory_space<hbm>> -> memref<640xf32, #tpu.memory_space<hbm>>
        %dma_wait3A_29 = tpu.memref_slice %arg9[%mul3A_25] : memref<10240xf32, #tpu.memory_space<vmem_shared>> -> memref<640xf32, #tpu.memory_space<vmem_shared>>
        tpu.wait_dma2 semaphore(%run_scoped3A : memref<!tpu.dma_semaphore, #tpu.memory_space<semaphore_mem>>) src(%dma_wait3A_29 : memref<640xf32, #tpu.memory_space<vmem_shared>>) dst(%dma_wait3A : memref<640xf32, #tpu.memory_space<hbm>>)
        tpu.yield
      }) : () -> ()
    } else {
    }
    return
  }
}

#map = affine_map<(d0, d1) -> (0, 0)>
#map1 = affine_map<(d0, d1) -> (0)>
#map2 = affine_map<(d0, d1) -> (0, 0, 0)>
module attributes {stable_mosaic.version = 14 : i64} {
  func.func @_agg_kernel(%arg0: i32, %arg1: i32, %arg2: memref<10112x128xf32, #tpu.memory_space<hbm>>, %arg3: memref<2560x128xi32, #tpu.memory_space<hbm>>, %arg4: memref<327680xi32, #tpu.memory_space<hbm>>, %arg5: memref<632x128xf32, #tpu.memory_space<hbm>>, %arg6: memref<2x10112x128xf32, #tpu.memory_space<hbm>>, %arg7: memref<80x128xi32, #tpu.memory_space<vmem>>, %arg8: memref<128xi32, #tpu.memory_space<vmem>>, %arg9: memref<128xi32, #tpu.memory_space<vmem>>, %arg10: memref<128x128xf32, #tpu.memory_space<vmem>>, %arg11: memref<128x128xf32, #tpu.memory_space<vmem>>, %arg12: memref<10112x128xf32, #tpu.memory_space<vmem_shared>>, %arg13: memref<!tpu.dma_semaphore, #tpu.memory_space<semaphore_mem>>, %arg14: memref<!tpu.dma_semaphore, #tpu.memory_space<semaphore_mem>>, %arg15: memref<!tpu.dma_semaphore, #tpu.memory_space<semaphore_mem>>, %arg16: memref<!tpu.dma_semaphore, #tpu.memory_space<semaphore_mem>>) attributes {dimension_semantics = [#tpu.dimension_semantics<core_parallel>, #tpu.dimension_semantics<subcore_parallel>], iteration_bounds = array<i64: 2, 16>, scalar_prefetch = 0 : i64, scratch_operands = 10 : i64, tpu.core_type = #tpu.core_type<sc_vector_subcore>, window_params = [{transform_indices = #map}, {transform_indices = #map}, {transform_indices = #map1}, {transform_indices = #map}, {transform_indices = #map2}]} {
    %mul3A = arith.constant 16 : i32
    %mul3A_0 = arith.muli %arg0, %mul3A : i32
    %add3A = arith.addi %mul3A_0, %arg1 : i32
    %mul3A_1 = arith.constant 10240 : i32
    %mul3A_2 = arith.muli %add3A, %mul3A_1 : i32
    %eq3A = arith.constant 0 : i32
    %eq3A_3 = arith.cmpi eq, %arg0, %eq3A : i32
    %convert_element_type3A = arith.extui %eq3A_3 : i1 to i32
    %cond3A = arith.constant 0 : i32
    %cond3A_4 = arith.cmpi ne, %convert_element_type3A, %cond3A : i32
    scf.if %cond3A_4 {
      %mul3A_30 = arith.constant 632 : i32
      %mul3A_31 = arith.muli %arg1, %mul3A_30 : i32
      %mul3A_32 = arith.constant 632 : i32
      %mul3A_33 = arith.muli %arg1, %mul3A_32 : i32
      "tpu.region"() ({
        %run_scoped3A = tpu.sem_alloc : memref<!tpu.dma_semaphore, #tpu.memory_space<semaphore_mem>>
        %dma_start3A_34 = arith.constant 0 : i32
        %dma_start3A_35 = tpu.memref_slice %arg12[%mul3A_33, %dma_start3A_34] : memref<10112x128xf32, #tpu.memory_space<vmem_shared>> -> memref<632x128xf32, #tpu.memory_space<vmem_shared>>
        %dma_start3A_36 = arith.constant 0 : i32
        %dma_start3A_37 = tpu.memref_slice %arg2[%mul3A_31, %dma_start3A_36] : memref<10112x128xf32, #tpu.memory_space<hbm>> -> memref<632x128xf32, #tpu.memory_space<hbm>>
        tpu.enqueue_dma source(%dma_start3A_37 : memref<632x128xf32, #tpu.memory_space<hbm>>) target(%dma_start3A_35 : memref<632x128xf32, #tpu.memory_space<vmem_shared>>) target_semaphore(%run_scoped3A : memref<!tpu.dma_semaphore, #tpu.memory_space<semaphore_mem>>)
        %dma_wait3A = arith.constant 0 : i32
        %dma_wait3A_38 = tpu.memref_slice %arg12[%mul3A_33, %dma_wait3A] : memref<10112x128xf32, #tpu.memory_space<vmem_shared>> -> memref<632x128xf32, #tpu.memory_space<vmem_shared>>
        %dma_wait3A_39 = arith.constant 0 : i32
        %dma_wait3A_40 = tpu.memref_slice %arg2[%mul3A_31, %dma_wait3A_39] : memref<10112x128xf32, #tpu.memory_space<hbm>> -> memref<632x128xf32, #tpu.memory_space<hbm>>
        tpu.wait_dma2 semaphore(%run_scoped3A : memref<!tpu.dma_semaphore, #tpu.memory_space<semaphore_mem>>) src(%dma_wait3A_40 : memref<632x128xf32, #tpu.memory_space<hbm>>) dst(%dma_wait3A_38 : memref<632x128xf32, #tpu.memory_space<vmem_shared>>)
        tpu.yield
      }) : () -> ()
    } else {
    }
    %eq3A_5 = arith.constant 1 : i32
    %eq3A_6 = arith.cmpi eq, %arg0, %eq3A_5 : i32
    %convert_element_type3A_7 = arith.extui %eq3A_6 : i1 to i32
    %cond3A_8 = arith.constant 0 : i32
    %cond3A_9 = arith.cmpi ne, %convert_element_type3A_7, %cond3A_8 : i32
    scf.if %cond3A_9 {
      %mul3A_30 = arith.constant 632 : i32
      %mul3A_31 = arith.muli %arg1, %mul3A_30 : i32
      "tpu.region"() ({
        %run_scoped3A = tpu.sem_alloc : memref<!tpu.dma_semaphore, #tpu.memory_space<semaphore_mem>>
        %dma_start3A_32 = arith.constant 0 : i32
        %dma_start3A_33 = tpu.memref_slice %arg12[%mul3A_31, %dma_start3A_32] : memref<10112x128xf32, #tpu.memory_space<vmem_shared>> -> memref<632x128xf32, #tpu.memory_space<vmem_shared>>
        tpu.enqueue_dma source(%arg5 : memref<632x128xf32, #tpu.memory_space<hbm>>) target(%dma_start3A_33 : memref<632x128xf32, #tpu.memory_space<vmem_shared>>) target_semaphore(%run_scoped3A : memref<!tpu.dma_semaphore, #tpu.memory_space<semaphore_mem>>)
        %dma_wait3A = arith.constant 0 : i32
        %dma_wait3A_34 = tpu.memref_slice %arg12[%mul3A_31, %dma_wait3A] : memref<10112x128xf32, #tpu.memory_space<vmem_shared>> -> memref<632x128xf32, #tpu.memory_space<vmem_shared>>
        tpu.wait_dma2 semaphore(%run_scoped3A : memref<!tpu.dma_semaphore, #tpu.memory_space<semaphore_mem>>) src(%arg5 : memref<632x128xf32, #tpu.memory_space<hbm>>) dst(%dma_wait3A_34 : memref<632x128xf32, #tpu.memory_space<vmem_shared>>)
        tpu.yield
      }) : () -> ()
    } else {
    }
    %mul3A_10 = arith.constant 80 : i32
    %mul3A_11 = arith.muli %add3A, %mul3A_10 : i32
    "tpu.region"() ({
      %run_scoped3A = tpu.sem_alloc : memref<!tpu.dma_semaphore, #tpu.memory_space<semaphore_mem>>
      %dma_start3A_30 = arith.constant 0 : i32
      %dma_start3A_31 = tpu.memref_slice %arg3[%mul3A_11, %dma_start3A_30] : memref<2560x128xi32, #tpu.memory_space<hbm>> -> memref<80x128xi32, #tpu.memory_space<hbm>>
      %dma_start3A_32 = arith.constant 0 : i32
      %dma_start3A_33 = tpu.memref_slice %arg3[%mul3A_11, %dma_start3A_32] : memref<2560x128xi32, #tpu.memory_space<hbm>> -> memref<80x128xi32, #tpu.memory_space<hbm>>
      tpu.enqueue_dma source(%dma_start3A_33 : memref<80x128xi32, #tpu.memory_space<hbm>>) target(%arg7 : memref<80x128xi32, #tpu.memory_space<vmem>>) target_semaphore(%run_scoped3A : memref<!tpu.dma_semaphore, #tpu.memory_space<semaphore_mem>>)
      %dma_wait3A = arith.constant 0 : i32
      %dma_wait3A_34 = tpu.memref_slice %arg3[%mul3A_11, %dma_wait3A] : memref<2560x128xi32, #tpu.memory_space<hbm>> -> memref<80x128xi32, #tpu.memory_space<hbm>>
      %dma_wait3A_35 = arith.constant 0 : i32
      %dma_wait3A_36 = tpu.memref_slice %arg3[%mul3A_11, %dma_wait3A_35] : memref<2560x128xi32, #tpu.memory_space<hbm>> -> memref<80x128xi32, #tpu.memory_space<hbm>>
      tpu.wait_dma2 semaphore(%run_scoped3A : memref<!tpu.dma_semaphore, #tpu.memory_space<semaphore_mem>>) src(%dma_wait3A_36 : memref<80x128xi32, #tpu.memory_space<hbm>>) dst(%arg7 : memref<80x128xi32, #tpu.memory_space<vmem>>)
      tpu.yield
    }) : () -> ()
    %barrier3A = arith.constant 0 : index
    tpu.barrier barrier_id(%barrier3A)
    %dma_start3A = arith.constant 0 : i32
    %dma_start3A_12 = arith.constant 0 : i32
    %dma_start3A_13 = tpu.memref_slice %arg7[%dma_start3A, %dma_start3A_12] : memref<80x128xi32, #tpu.memory_space<vmem>> -> memref<1x128xi32, #tpu.memory_space<vmem>>
    %dma_start3A_14 = tpu.memref_squeeze %dma_start3A_13 : memref<1x128xi32, #tpu.memory_space<vmem>> -> memref<128xi32, #tpu.memory_space<vmem>>
    %dma_start3A_15 = arith.constant 0 : i32
    %dma_start3A_16 = arith.constant 0 : i32
    %dma_start3A_17 = tpu.memref_slice %arg2[%dma_start3A_15, %dma_start3A_16] : memref<10112x128xf32, #tpu.memory_space<hbm>> -> memref<10112x128xf32, #tpu.memory_space<hbm>>
    tpu.enqueue_indirect_dma source(%dma_start3A_17 : memref<10112x128xf32, #tpu.memory_space<hbm>>) target(%arg10 : memref<128x128xf32, #tpu.memory_space<vmem>>) offsets(%dma_start3A_14 : memref<128xi32, #tpu.memory_space<vmem>>) semaphore(%arg13 : memref<!tpu.dma_semaphore, #tpu.memory_space<semaphore_mem>>)
    %dma_start3A_18 = tpu.memref_slice %arg4[%mul3A_2] : memref<327680xi32, #tpu.memory_space<hbm>> -> memref<128xi32, #tpu.memory_space<hbm>>
    %dma_start3A_19 = tpu.memref_slice %arg4[%mul3A_2] : memref<327680xi32, #tpu.memory_space<hbm>> -> memref<128xi32, #tpu.memory_space<hbm>>
    tpu.enqueue_dma source(%dma_start3A_19 : memref<128xi32, #tpu.memory_space<hbm>>) target(%arg8 : memref<128xi32, #tpu.memory_space<vmem>>) target_semaphore(%arg15 : memref<!tpu.dma_semaphore, #tpu.memory_space<semaphore_mem>>)
    %scan3A = arith.constant 0 : i32
    %scan3A_20 = arith.constant 0 : i32
    %scan3A_21 = arith.constant 40 : i32
    %scan3A_22 = arith.addi %scan3A_20, %scan3A_21 : i32
    %scan3A_23 = arith.constant 1 : i32
    scf.for %scan3A_30 = %scan3A_20 to %scan3A_22 step %scan3A_23  : i32 {
      %mul3A_31 = arith.constant 2 : i32
      %mul3A_32 = arith.muli %mul3A_31, %scan3A_30 : i32
      %add3A_33 = arith.constant 1 : i32
      %add3A_34 = arith.addi %mul3A_32, %add3A_33 : i32
      %dma_start3A_35 = arith.constant 0 : i32
      %dma_start3A_36 = tpu.memref_slice %arg7[%add3A_34, %dma_start3A_35] : memref<80x128xi32, #tpu.memory_space<vmem>> -> memref<1x128xi32, #tpu.memory_space<vmem>>
      %dma_start3A_37 = tpu.memref_squeeze %dma_start3A_36 : memref<1x128xi32, #tpu.memory_space<vmem>> -> memref<128xi32, #tpu.memory_space<vmem>>
      %dma_start3A_38 = arith.constant 0 : i32
      %dma_start3A_39 = arith.constant 0 : i32
      %dma_start3A_40 = tpu.memref_slice %arg2[%dma_start3A_38, %dma_start3A_39] : memref<10112x128xf32, #tpu.memory_space<hbm>> -> memref<10112x128xf32, #tpu.memory_space<hbm>>
      tpu.enqueue_indirect_dma source(%dma_start3A_40 : memref<10112x128xf32, #tpu.memory_space<hbm>>) target(%arg11 : memref<128x128xf32, #tpu.memory_space<vmem>>) offsets(%dma_start3A_37 : memref<128xi32, #tpu.memory_space<vmem>>) semaphore(%arg14 : memref<!tpu.dma_semaphore, #tpu.memory_space<semaphore_mem>>)
      %add3A_41 = arith.constant 1 : i32
      %add3A_42 = arith.addi %mul3A_32, %add3A_41 : i32
      %mul3A_43 = arith.constant 128 : i32
      %mul3A_44 = arith.muli %add3A_42, %mul3A_43 : i32
      %add3A_45 = arith.addi %mul3A_2, %mul3A_44 : i32
      %dma_start3A_46 = tpu.memref_slice %arg4[%add3A_45] : memref<327680xi32, #tpu.memory_space<hbm>> -> memref<128xi32, #tpu.memory_space<hbm>>
      %dma_start3A_47 = tpu.memref_slice %arg4[%add3A_45] : memref<327680xi32, #tpu.memory_space<hbm>> -> memref<128xi32, #tpu.memory_space<hbm>>
      tpu.enqueue_dma source(%dma_start3A_47 : memref<128xi32, #tpu.memory_space<hbm>>) target(%arg9 : memref<128xi32, #tpu.memory_space<vmem>>) target_semaphore(%arg16 : memref<!tpu.dma_semaphore, #tpu.memory_space<semaphore_mem>>)
      %dma_wait3A = arith.constant 0 : i32
      %dma_wait3A_48 = tpu.memref_slice %arg7[%mul3A_32, %dma_wait3A] : memref<80x128xi32, #tpu.memory_space<vmem>> -> memref<1x128xi32, #tpu.memory_space<vmem>>
      %dma_wait3A_49 = tpu.memref_squeeze %dma_wait3A_48 : memref<1x128xi32, #tpu.memory_space<vmem>> -> memref<128xi32, #tpu.memory_space<vmem>>
      %dma_wait3A_50 = arith.constant 0 : i32
      %dma_wait3A_51 = arith.constant 0 : i32
      %dma_wait3A_52 = tpu.memref_slice %arg2[%dma_wait3A_50, %dma_wait3A_51] : memref<10112x128xf32, #tpu.memory_space<hbm>> -> memref<10112x128xf32, #tpu.memory_space<hbm>>
      tpu.wait_indirect_dma semaphore(%arg13 : memref<!tpu.dma_semaphore, #tpu.memory_space<semaphore_mem>>) src(%dma_wait3A_52 : memref<10112x128xf32, #tpu.memory_space<hbm>>) dst(%arg10 : memref<128x128xf32, #tpu.memory_space<vmem>>)
      %dma_wait3A_53 = tpu.memref_slice %arg4[%mul3A_2] : memref<327680xi32, #tpu.memory_space<hbm>> -> memref<128xi32, #tpu.memory_space<hbm>>
      %dma_wait3A_54 = tpu.memref_slice %arg4[%mul3A_2] : memref<327680xi32, #tpu.memory_space<hbm>> -> memref<128xi32, #tpu.memory_space<hbm>>
      tpu.wait_dma2 semaphore(%arg15 : memref<!tpu.dma_semaphore, #tpu.memory_space<semaphore_mem>>) src(%dma_wait3A_54 : memref<128xi32, #tpu.memory_space<hbm>>) dst(%arg8 : memref<128xi32, #tpu.memory_space<vmem>>)
      "tpu.region"() ({
        %run_scoped3A = tpu.sem_alloc : memref<!tpu.dma_semaphore, #tpu.memory_space<semaphore_mem>>
        %dma_start3A_71 = arith.constant 0 : i32
        %dma_start3A_72 = arith.constant 0 : i32
        %dma_start3A_73 = tpu.memref_slice %arg12[%dma_start3A_71, %dma_start3A_72] : memref<10112x128xf32, #tpu.memory_space<vmem_shared>> -> memref<10112x128xf32, #tpu.memory_space<vmem_shared>>
        tpu.enqueue_indirect_dma source(%arg10 : memref<128x128xf32, #tpu.memory_space<vmem>>) target(%dma_start3A_73 : memref<10112x128xf32, #tpu.memory_space<vmem_shared>>) offsets(%arg8 : memref<128xi32, #tpu.memory_space<vmem>>) semaphore(%run_scoped3A : memref<!tpu.dma_semaphore, #tpu.memory_space<semaphore_mem>>) {add = true}
        %dma_wait3A_74 = arith.constant 0 : i32
        %dma_wait3A_75 = arith.constant 0 : i32
        %dma_wait3A_76 = tpu.memref_slice %arg12[%dma_wait3A_74, %dma_wait3A_75] : memref<10112x128xf32, #tpu.memory_space<vmem_shared>> -> memref<10112x128xf32, #tpu.memory_space<vmem_shared>>
        tpu.wait_indirect_dma semaphore(%run_scoped3A : memref<!tpu.dma_semaphore, #tpu.memory_space<semaphore_mem>>) src(%arg10 : memref<128x128xf32, #tpu.memory_space<vmem>>) dst(%dma_wait3A_76 : memref<10112x128xf32, #tpu.memory_space<vmem_shared>>)
        tpu.yield
      }) : () -> ()
      %add3A_55 = arith.constant 2 : i32
      %add3A_56 = arith.addi %mul3A_32, %add3A_55 : i32
      %lt3A = arith.constant 80 : i32
      %lt3A_57 = arith.cmpi slt, %add3A_56, %lt3A : i32
      %convert_element_type3A_58 = arith.extui %lt3A_57 : i1 to i32
      %cond3A_59 = arith.constant 0 : i32
      %cond3A_60 = arith.cmpi ne, %convert_element_type3A_58, %cond3A_59 : i32
      scf.if %cond3A_60 {
        %add3A_71 = arith.constant 2 : i32
        %add3A_72 = arith.addi %mul3A_32, %add3A_71 : i32
        %dma_start3A_73 = arith.constant 0 : i32
        %dma_start3A_74 = tpu.memref_slice %arg7[%add3A_72, %dma_start3A_73] : memref<80x128xi32, #tpu.memory_space<vmem>> -> memref<1x128xi32, #tpu.memory_space<vmem>>
        %dma_start3A_75 = tpu.memref_squeeze %dma_start3A_74 : memref<1x128xi32, #tpu.memory_space<vmem>> -> memref<128xi32, #tpu.memory_space<vmem>>
        %dma_start3A_76 = arith.constant 0 : i32
        %dma_start3A_77 = arith.constant 0 : i32
        %dma_start3A_78 = tpu.memref_slice %arg2[%dma_start3A_76, %dma_start3A_77] : memref<10112x128xf32, #tpu.memory_space<hbm>> -> memref<10112x128xf32, #tpu.memory_space<hbm>>
        tpu.enqueue_indirect_dma source(%dma_start3A_78 : memref<10112x128xf32, #tpu.memory_space<hbm>>) target(%arg10 : memref<128x128xf32, #tpu.memory_space<vmem>>) offsets(%dma_start3A_75 : memref<128xi32, #tpu.memory_space<vmem>>) semaphore(%arg13 : memref<!tpu.dma_semaphore, #tpu.memory_space<semaphore_mem>>)
        %add3A_79 = arith.constant 2 : i32
        %add3A_80 = arith.addi %mul3A_32, %add3A_79 : i32
        %mul3A_81 = arith.constant 128 : i32
        %mul3A_82 = arith.muli %add3A_80, %mul3A_81 : i32
        %add3A_83 = arith.addi %mul3A_2, %mul3A_82 : i32
        %dma_start3A_84 = tpu.memref_slice %arg4[%add3A_83] : memref<327680xi32, #tpu.memory_space<hbm>> -> memref<128xi32, #tpu.memory_space<hbm>>
        %dma_start3A_85 = tpu.memref_slice %arg4[%add3A_83] : memref<327680xi32, #tpu.memory_space<hbm>> -> memref<128xi32, #tpu.memory_space<hbm>>
        tpu.enqueue_dma source(%dma_start3A_85 : memref<128xi32, #tpu.memory_space<hbm>>) target(%arg8 : memref<128xi32, #tpu.memory_space<vmem>>) target_semaphore(%arg15 : memref<!tpu.dma_semaphore, #tpu.memory_space<semaphore_mem>>)
      } else {
      }
      %add3A_61 = arith.constant 1 : i32
      %add3A_62 = arith.addi %mul3A_32, %add3A_61 : i32
      %dma_wait3A_63 = arith.constant 0 : i32
      %dma_wait3A_64 = tpu.memref_slice %arg7[%add3A_62, %dma_wait3A_63] : memref<80x128xi32, #tpu.memory_space<vmem>> -> memref<1x128xi32, #tpu.memory_space<vmem>>
      %dma_wait3A_65 = tpu.memref_squeeze %dma_wait3A_64 : memref<1x128xi32, #tpu.memory_space<vmem>> -> memref<128xi32, #tpu.memory_space<vmem>>
      %dma_wait3A_66 = arith.constant 0 : i32
      %dma_wait3A_67 = arith.constant 0 : i32
      %dma_wait3A_68 = tpu.memref_slice %arg2[%dma_wait3A_66, %dma_wait3A_67] : memref<10112x128xf32, #tpu.memory_space<hbm>> -> memref<10112x128xf32, #tpu.memory_space<hbm>>
      tpu.wait_indirect_dma semaphore(%arg14 : memref<!tpu.dma_semaphore, #tpu.memory_space<semaphore_mem>>) src(%dma_wait3A_68 : memref<10112x128xf32, #tpu.memory_space<hbm>>) dst(%arg11 : memref<128x128xf32, #tpu.memory_space<vmem>>)
      %dma_wait3A_69 = tpu.memref_slice %arg4[%mul3A_2] : memref<327680xi32, #tpu.memory_space<hbm>> -> memref<128xi32, #tpu.memory_space<hbm>>
      %dma_wait3A_70 = tpu.memref_slice %arg4[%mul3A_2] : memref<327680xi32, #tpu.memory_space<hbm>> -> memref<128xi32, #tpu.memory_space<hbm>>
      tpu.wait_dma2 semaphore(%arg16 : memref<!tpu.dma_semaphore, #tpu.memory_space<semaphore_mem>>) src(%dma_wait3A_70 : memref<128xi32, #tpu.memory_space<hbm>>) dst(%arg9 : memref<128xi32, #tpu.memory_space<vmem>>)
      "tpu.region"() ({
        %run_scoped3A = tpu.sem_alloc : memref<!tpu.dma_semaphore, #tpu.memory_space<semaphore_mem>>
        %dma_start3A_71 = arith.constant 0 : i32
        %dma_start3A_72 = arith.constant 0 : i32
        %dma_start3A_73 = tpu.memref_slice %arg12[%dma_start3A_71, %dma_start3A_72] : memref<10112x128xf32, #tpu.memory_space<vmem_shared>> -> memref<10112x128xf32, #tpu.memory_space<vmem_shared>>
        tpu.enqueue_indirect_dma source(%arg11 : memref<128x128xf32, #tpu.memory_space<vmem>>) target(%dma_start3A_73 : memref<10112x128xf32, #tpu.memory_space<vmem_shared>>) offsets(%arg9 : memref<128xi32, #tpu.memory_space<vmem>>) semaphore(%run_scoped3A : memref<!tpu.dma_semaphore, #tpu.memory_space<semaphore_mem>>) {add = true}
        %dma_wait3A_74 = arith.constant 0 : i32
        %dma_wait3A_75 = arith.constant 0 : i32
        %dma_wait3A_76 = tpu.memref_slice %arg12[%dma_wait3A_74, %dma_wait3A_75] : memref<10112x128xf32, #tpu.memory_space<vmem_shared>> -> memref<10112x128xf32, #tpu.memory_space<vmem_shared>>
        tpu.wait_indirect_dma semaphore(%run_scoped3A : memref<!tpu.dma_semaphore, #tpu.memory_space<semaphore_mem>>) src(%arg11 : memref<128x128xf32, #tpu.memory_space<vmem>>) dst(%dma_wait3A_76 : memref<10112x128xf32, #tpu.memory_space<vmem_shared>>)
        tpu.yield
      }) : () -> ()
    }
    %scan3A_24 = arith.constant 40 : i32
    %barrier3A_25 = arith.constant 0 : index
    tpu.barrier barrier_id(%barrier3A_25)
    %mul3A_26 = arith.constant 632 : i32
    %mul3A_27 = arith.muli %arg1, %mul3A_26 : i32
    %mul3A_28 = arith.constant 632 : i32
    %mul3A_29 = arith.muli %arg1, %mul3A_28 : i32
    "tpu.region"() ({
      %run_scoped3A = tpu.sem_alloc : memref<!tpu.dma_semaphore, #tpu.memory_space<semaphore_mem>>
      %dma_start3A_30 = arith.constant 0 : i32
      %dma_start3A_31 = tpu.memref_slice %arg6[%arg0, %mul3A_29, %dma_start3A_30] : memref<2x10112x128xf32, #tpu.memory_space<hbm>> -> memref<1x632x128xf32, #tpu.memory_space<hbm>>
      %dma_start3A_32 = tpu.memref_squeeze %dma_start3A_31 : memref<1x632x128xf32, #tpu.memory_space<hbm>> -> memref<632x128xf32, #tpu.memory_space<hbm>>
      %dma_start3A_33 = arith.constant 0 : i32
      %dma_start3A_34 = tpu.memref_slice %arg12[%mul3A_27, %dma_start3A_33] : memref<10112x128xf32, #tpu.memory_space<vmem_shared>> -> memref<632x128xf32, #tpu.memory_space<vmem_shared>>
      tpu.enqueue_dma source(%dma_start3A_34 : memref<632x128xf32, #tpu.memory_space<vmem_shared>>) target(%dma_start3A_32 : memref<632x128xf32, #tpu.memory_space<hbm>>) target_semaphore(%run_scoped3A : memref<!tpu.dma_semaphore, #tpu.memory_space<semaphore_mem>>)
      %dma_wait3A = arith.constant 0 : i32
      %dma_wait3A_35 = tpu.memref_slice %arg6[%arg0, %mul3A_29, %dma_wait3A] : memref<2x10112x128xf32, #tpu.memory_space<hbm>> -> memref<1x632x128xf32, #tpu.memory_space<hbm>>
      %dma_wait3A_36 = tpu.memref_squeeze %dma_wait3A_35 : memref<1x632x128xf32, #tpu.memory_space<hbm>> -> memref<632x128xf32, #tpu.memory_space<hbm>>
      %dma_wait3A_37 = arith.constant 0 : i32
      %dma_wait3A_38 = tpu.memref_slice %arg12[%mul3A_27, %dma_wait3A_37] : memref<10112x128xf32, #tpu.memory_space<vmem_shared>> -> memref<632x128xf32, #tpu.memory_space<vmem_shared>>
      tpu.wait_dma2 semaphore(%run_scoped3A : memref<!tpu.dma_semaphore, #tpu.memory_space<semaphore_mem>>) src(%dma_wait3A_38 : memref<632x128xf32, #tpu.memory_space<vmem_shared>>) dst(%dma_wait3A_36 : memref<632x128xf32, #tpu.memory_space<hbm>>)
      tpu.yield
    }) : () -> ()
    return
  }
}

#map = affine_map<(d0, d1) -> (0, 0)>
#map1 = affine_map<(d0, d1) -> (0)>
#map2 = affine_map<(d0, d1) -> (0, 0, 0)>
module attributes {stable_mosaic.version = 14 : i64} {
  func.func @_agg_kernel(%arg0: i32, %arg1: i32, %arg2: memref<10112x128xf32, #tpu.memory_space<hbm>>, %arg3: memref<2560x128xi32, #tpu.memory_space<hbm>>, %arg4: memref<327680xi32, #tpu.memory_space<hbm>>, %arg5: memref<632x128xf32, #tpu.memory_space<hbm>>, %arg6: memref<2x10112x128xf32, #tpu.memory_space<hbm>>, %arg7: memref<80x128xi32, #tpu.memory_space<vmem>>, %arg8: memref<128xi32, #tpu.memory_space<vmem>>, %arg9: memref<128xi32, #tpu.memory_space<vmem>>, %arg10: memref<128x128xf32, #tpu.memory_space<vmem>>, %arg11: memref<128x128xf32, #tpu.memory_space<vmem>>, %arg12: memref<10112x128xf32, #tpu.memory_space<vmem_shared>>, %arg13: memref<!tpu.dma_semaphore, #tpu.memory_space<semaphore_mem>>, %arg14: memref<!tpu.dma_semaphore, #tpu.memory_space<semaphore_mem>>, %arg15: memref<!tpu.dma_semaphore, #tpu.memory_space<semaphore_mem>>, %arg16: memref<!tpu.dma_semaphore, #tpu.memory_space<semaphore_mem>>) attributes {dimension_semantics = [#tpu.dimension_semantics<core_parallel>, #tpu.dimension_semantics<subcore_parallel>], iteration_bounds = array<i64: 2, 16>, scalar_prefetch = 0 : i64, scratch_operands = 10 : i64, tpu.core_type = #tpu.core_type<sc_vector_subcore>, window_params = [{transform_indices = #map}, {transform_indices = #map}, {transform_indices = #map1}, {transform_indices = #map}, {transform_indices = #map2}]} {
    %mul3A = arith.constant 16 : i32
    %mul3A_0 = arith.muli %arg0, %mul3A : i32
    %add3A = arith.addi %mul3A_0, %arg1 : i32
    %mul3A_1 = arith.constant 10240 : i32
    %mul3A_2 = arith.muli %add3A, %mul3A_1 : i32
    %eq3A = arith.constant 0 : i32
    %eq3A_3 = arith.cmpi eq, %arg0, %eq3A : i32
    %convert_element_type3A = arith.extui %eq3A_3 : i1 to i32
    %cond3A = arith.constant 0 : i32
    %cond3A_4 = arith.cmpi ne, %convert_element_type3A, %cond3A : i32
    scf.if %cond3A_4 {
      %mul3A_30 = arith.constant 632 : i32
      %mul3A_31 = arith.muli %arg1, %mul3A_30 : i32
      %mul3A_32 = arith.constant 632 : i32
      %mul3A_33 = arith.muli %arg1, %mul3A_32 : i32
      "tpu.region"() ({
        %run_scoped3A = tpu.sem_alloc : memref<!tpu.dma_semaphore, #tpu.memory_space<semaphore_mem>>
        %dma_start3A_34 = arith.constant 0 : i32
        %dma_start3A_35 = tpu.memref_slice %arg12[%mul3A_33, %dma_start3A_34] : memref<10112x128xf32, #tpu.memory_space<vmem_shared>> -> memref<632x128xf32, #tpu.memory_space<vmem_shared>>
        %dma_start3A_36 = arith.constant 0 : i32
        %dma_start3A_37 = tpu.memref_slice %arg2[%mul3A_31, %dma_start3A_36] : memref<10112x128xf32, #tpu.memory_space<hbm>> -> memref<632x128xf32, #tpu.memory_space<hbm>>
        tpu.enqueue_dma source(%dma_start3A_37 : memref<632x128xf32, #tpu.memory_space<hbm>>) target(%dma_start3A_35 : memref<632x128xf32, #tpu.memory_space<vmem_shared>>) target_semaphore(%run_scoped3A : memref<!tpu.dma_semaphore, #tpu.memory_space<semaphore_mem>>)
        %dma_wait3A = arith.constant 0 : i32
        %dma_wait3A_38 = tpu.memref_slice %arg12[%mul3A_33, %dma_wait3A] : memref<10112x128xf32, #tpu.memory_space<vmem_shared>> -> memref<632x128xf32, #tpu.memory_space<vmem_shared>>
        %dma_wait3A_39 = arith.constant 0 : i32
        %dma_wait3A_40 = tpu.memref_slice %arg2[%mul3A_31, %dma_wait3A_39] : memref<10112x128xf32, #tpu.memory_space<hbm>> -> memref<632x128xf32, #tpu.memory_space<hbm>>
        tpu.wait_dma2 semaphore(%run_scoped3A : memref<!tpu.dma_semaphore, #tpu.memory_space<semaphore_mem>>) src(%dma_wait3A_40 : memref<632x128xf32, #tpu.memory_space<hbm>>) dst(%dma_wait3A_38 : memref<632x128xf32, #tpu.memory_space<vmem_shared>>)
        tpu.yield
      }) : () -> ()
    } else {
    }
    %eq3A_5 = arith.constant 1 : i32
    %eq3A_6 = arith.cmpi eq, %arg0, %eq3A_5 : i32
    %convert_element_type3A_7 = arith.extui %eq3A_6 : i1 to i32
    %cond3A_8 = arith.constant 0 : i32
    %cond3A_9 = arith.cmpi ne, %convert_element_type3A_7, %cond3A_8 : i32
    scf.if %cond3A_9 {
      %mul3A_30 = arith.constant 632 : i32
      %mul3A_31 = arith.muli %arg1, %mul3A_30 : i32
      "tpu.region"() ({
        %run_scoped3A = tpu.sem_alloc : memref<!tpu.dma_semaphore, #tpu.memory_space<semaphore_mem>>
        %dma_start3A_32 = arith.constant 0 : i32
        %dma_start3A_33 = tpu.memref_slice %arg12[%mul3A_31, %dma_start3A_32] : memref<10112x128xf32, #tpu.memory_space<vmem_shared>> -> memref<632x128xf32, #tpu.memory_space<vmem_shared>>
        tpu.enqueue_dma source(%arg5 : memref<632x128xf32, #tpu.memory_space<hbm>>) target(%dma_start3A_33 : memref<632x128xf32, #tpu.memory_space<vmem_shared>>) target_semaphore(%run_scoped3A : memref<!tpu.dma_semaphore, #tpu.memory_space<semaphore_mem>>)
        %dma_wait3A = arith.constant 0 : i32
        %dma_wait3A_34 = tpu.memref_slice %arg12[%mul3A_31, %dma_wait3A] : memref<10112x128xf32, #tpu.memory_space<vmem_shared>> -> memref<632x128xf32, #tpu.memory_space<vmem_shared>>
        tpu.wait_dma2 semaphore(%run_scoped3A : memref<!tpu.dma_semaphore, #tpu.memory_space<semaphore_mem>>) src(%arg5 : memref<632x128xf32, #tpu.memory_space<hbm>>) dst(%dma_wait3A_34 : memref<632x128xf32, #tpu.memory_space<vmem_shared>>)
        tpu.yield
      }) : () -> ()
    } else {
    }
    %mul3A_10 = arith.constant 80 : i32
    %mul3A_11 = arith.muli %add3A, %mul3A_10 : i32
    "tpu.region"() ({
      %run_scoped3A = tpu.sem_alloc : memref<!tpu.dma_semaphore, #tpu.memory_space<semaphore_mem>>
      %dma_start3A_30 = arith.constant 0 : i32
      %dma_start3A_31 = tpu.memref_slice %arg3[%mul3A_11, %dma_start3A_30] : memref<2560x128xi32, #tpu.memory_space<hbm>> -> memref<80x128xi32, #tpu.memory_space<hbm>>
      %dma_start3A_32 = arith.constant 0 : i32
      %dma_start3A_33 = tpu.memref_slice %arg3[%mul3A_11, %dma_start3A_32] : memref<2560x128xi32, #tpu.memory_space<hbm>> -> memref<80x128xi32, #tpu.memory_space<hbm>>
      tpu.enqueue_dma source(%dma_start3A_33 : memref<80x128xi32, #tpu.memory_space<hbm>>) target(%arg7 : memref<80x128xi32, #tpu.memory_space<vmem>>) target_semaphore(%run_scoped3A : memref<!tpu.dma_semaphore, #tpu.memory_space<semaphore_mem>>)
      %dma_wait3A = arith.constant 0 : i32
      %dma_wait3A_34 = tpu.memref_slice %arg3[%mul3A_11, %dma_wait3A] : memref<2560x128xi32, #tpu.memory_space<hbm>> -> memref<80x128xi32, #tpu.memory_space<hbm>>
      %dma_wait3A_35 = arith.constant 0 : i32
      %dma_wait3A_36 = tpu.memref_slice %arg3[%mul3A_11, %dma_wait3A_35] : memref<2560x128xi32, #tpu.memory_space<hbm>> -> memref<80x128xi32, #tpu.memory_space<hbm>>
      tpu.wait_dma2 semaphore(%run_scoped3A : memref<!tpu.dma_semaphore, #tpu.memory_space<semaphore_mem>>) src(%dma_wait3A_36 : memref<80x128xi32, #tpu.memory_space<hbm>>) dst(%arg7 : memref<80x128xi32, #tpu.memory_space<vmem>>)
      tpu.yield
    }) : () -> ()
    %barrier3A = arith.constant 0 : index
    tpu.barrier barrier_id(%barrier3A)
    %dma_start3A = arith.constant 0 : i32
    %dma_start3A_12 = arith.constant 0 : i32
    %dma_start3A_13 = tpu.memref_slice %arg7[%dma_start3A, %dma_start3A_12] : memref<80x128xi32, #tpu.memory_space<vmem>> -> memref<1x128xi32, #tpu.memory_space<vmem>>
    %dma_start3A_14 = tpu.memref_squeeze %dma_start3A_13 : memref<1x128xi32, #tpu.memory_space<vmem>> -> memref<128xi32, #tpu.memory_space<vmem>>
    %dma_start3A_15 = arith.constant 0 : i32
    %dma_start3A_16 = arith.constant 0 : i32
    %dma_start3A_17 = tpu.memref_slice %arg2[%dma_start3A_15, %dma_start3A_16] : memref<10112x128xf32, #tpu.memory_space<hbm>> -> memref<10112x128xf32, #tpu.memory_space<hbm>>
    tpu.enqueue_indirect_dma source(%dma_start3A_17 : memref<10112x128xf32, #tpu.memory_space<hbm>>) target(%arg10 : memref<128x128xf32, #tpu.memory_space<vmem>>) offsets(%dma_start3A_14 : memref<128xi32, #tpu.memory_space<vmem>>) semaphore(%arg13 : memref<!tpu.dma_semaphore, #tpu.memory_space<semaphore_mem>>)
    %dma_start3A_18 = tpu.memref_slice %arg4[%mul3A_2] : memref<327680xi32, #tpu.memory_space<hbm>> -> memref<128xi32, #tpu.memory_space<hbm>>
    %dma_start3A_19 = tpu.memref_slice %arg4[%mul3A_2] : memref<327680xi32, #tpu.memory_space<hbm>> -> memref<128xi32, #tpu.memory_space<hbm>>
    tpu.enqueue_dma source(%dma_start3A_19 : memref<128xi32, #tpu.memory_space<hbm>>) target(%arg8 : memref<128xi32, #tpu.memory_space<vmem>>) target_semaphore(%arg15 : memref<!tpu.dma_semaphore, #tpu.memory_space<semaphore_mem>>)
    %scan3A = arith.constant 0 : i32
    %scan3A_20 = arith.constant 0 : i32
    %scan3A_21 = arith.constant 40 : i32
    %scan3A_22 = arith.addi %scan3A_20, %scan3A_21 : i32
    %scan3A_23 = arith.constant 1 : i32
    scf.for %scan3A_30 = %scan3A_20 to %scan3A_22 step %scan3A_23  : i32 {
      %mul3A_31 = arith.constant 2 : i32
      %mul3A_32 = arith.muli %mul3A_31, %scan3A_30 : i32
      %add3A_33 = arith.constant 1 : i32
      %add3A_34 = arith.addi %mul3A_32, %add3A_33 : i32
      %dma_start3A_35 = arith.constant 0 : i32
      %dma_start3A_36 = tpu.memref_slice %arg7[%add3A_34, %dma_start3A_35] : memref<80x128xi32, #tpu.memory_space<vmem>> -> memref<1x128xi32, #tpu.memory_space<vmem>>
      %dma_start3A_37 = tpu.memref_squeeze %dma_start3A_36 : memref<1x128xi32, #tpu.memory_space<vmem>> -> memref<128xi32, #tpu.memory_space<vmem>>
      %dma_start3A_38 = arith.constant 0 : i32
      %dma_start3A_39 = arith.constant 0 : i32
      %dma_start3A_40 = tpu.memref_slice %arg2[%dma_start3A_38, %dma_start3A_39] : memref<10112x128xf32, #tpu.memory_space<hbm>> -> memref<10112x128xf32, #tpu.memory_space<hbm>>
      tpu.enqueue_indirect_dma source(%dma_start3A_40 : memref<10112x128xf32, #tpu.memory_space<hbm>>) target(%arg11 : memref<128x128xf32, #tpu.memory_space<vmem>>) offsets(%dma_start3A_37 : memref<128xi32, #tpu.memory_space<vmem>>) semaphore(%arg14 : memref<!tpu.dma_semaphore, #tpu.memory_space<semaphore_mem>>)
      %add3A_41 = arith.constant 1 : i32
      %add3A_42 = arith.addi %mul3A_32, %add3A_41 : i32
      %mul3A_43 = arith.constant 128 : i32
      %mul3A_44 = arith.muli %add3A_42, %mul3A_43 : i32
      %add3A_45 = arith.addi %mul3A_2, %mul3A_44 : i32
      %dma_start3A_46 = tpu.memref_slice %arg4[%add3A_45] : memref<327680xi32, #tpu.memory_space<hbm>> -> memref<128xi32, #tpu.memory_space<hbm>>
      %dma_start3A_47 = tpu.memref_slice %arg4[%add3A_45] : memref<327680xi32, #tpu.memory_space<hbm>> -> memref<128xi32, #tpu.memory_space<hbm>>
      tpu.enqueue_dma source(%dma_start3A_47 : memref<128xi32, #tpu.memory_space<hbm>>) target(%arg9 : memref<128xi32, #tpu.memory_space<vmem>>) target_semaphore(%arg16 : memref<!tpu.dma_semaphore, #tpu.memory_space<semaphore_mem>>)
      %dma_wait3A = arith.constant 0 : i32
      %dma_wait3A_48 = tpu.memref_slice %arg7[%mul3A_32, %dma_wait3A] : memref<80x128xi32, #tpu.memory_space<vmem>> -> memref<1x128xi32, #tpu.memory_space<vmem>>
      %dma_wait3A_49 = tpu.memref_squeeze %dma_wait3A_48 : memref<1x128xi32, #tpu.memory_space<vmem>> -> memref<128xi32, #tpu.memory_space<vmem>>
      %dma_wait3A_50 = arith.constant 0 : i32
      %dma_wait3A_51 = arith.constant 0 : i32
      %dma_wait3A_52 = tpu.memref_slice %arg2[%dma_wait3A_50, %dma_wait3A_51] : memref<10112x128xf32, #tpu.memory_space<hbm>> -> memref<10112x128xf32, #tpu.memory_space<hbm>>
      tpu.wait_indirect_dma semaphore(%arg13 : memref<!tpu.dma_semaphore, #tpu.memory_space<semaphore_mem>>) src(%dma_wait3A_52 : memref<10112x128xf32, #tpu.memory_space<hbm>>) dst(%arg10 : memref<128x128xf32, #tpu.memory_space<vmem>>)
      %dma_wait3A_53 = tpu.memref_slice %arg4[%mul3A_2] : memref<327680xi32, #tpu.memory_space<hbm>> -> memref<128xi32, #tpu.memory_space<hbm>>
      %dma_wait3A_54 = tpu.memref_slice %arg4[%mul3A_2] : memref<327680xi32, #tpu.memory_space<hbm>> -> memref<128xi32, #tpu.memory_space<hbm>>
      tpu.wait_dma2 semaphore(%arg15 : memref<!tpu.dma_semaphore, #tpu.memory_space<semaphore_mem>>) src(%dma_wait3A_54 : memref<128xi32, #tpu.memory_space<hbm>>) dst(%arg8 : memref<128xi32, #tpu.memory_space<vmem>>)
      "tpu.region"() ({
        %run_scoped3A = tpu.sem_alloc : memref<!tpu.dma_semaphore, #tpu.memory_space<semaphore_mem>>
        %dma_start3A_71 = arith.constant 0 : i32
        %dma_start3A_72 = arith.constant 0 : i32
        %dma_start3A_73 = tpu.memref_slice %arg12[%dma_start3A_71, %dma_start3A_72] : memref<10112x128xf32, #tpu.memory_space<vmem_shared>> -> memref<10112x128xf32, #tpu.memory_space<vmem_shared>>
        tpu.enqueue_indirect_dma source(%arg10 : memref<128x128xf32, #tpu.memory_space<vmem>>) target(%dma_start3A_73 : memref<10112x128xf32, #tpu.memory_space<vmem_shared>>) offsets(%arg8 : memref<128xi32, #tpu.memory_space<vmem>>) semaphore(%run_scoped3A : memref<!tpu.dma_semaphore, #tpu.memory_space<semaphore_mem>>) {add = true}
        %dma_wait3A_74 = arith.constant 0 : i32
        %dma_wait3A_75 = arith.constant 0 : i32
        %dma_wait3A_76 = tpu.memref_slice %arg12[%dma_wait3A_74, %dma_wait3A_75] : memref<10112x128xf32, #tpu.memory_space<vmem_shared>> -> memref<10112x128xf32, #tpu.memory_space<vmem_shared>>
        tpu.wait_indirect_dma semaphore(%run_scoped3A : memref<!tpu.dma_semaphore, #tpu.memory_space<semaphore_mem>>) src(%arg10 : memref<128x128xf32, #tpu.memory_space<vmem>>) dst(%dma_wait3A_76 : memref<10112x128xf32, #tpu.memory_space<vmem_shared>>)
        tpu.yield
      }) : () -> ()
      %add3A_55 = arith.constant 2 : i32
      %add3A_56 = arith.addi %mul3A_32, %add3A_55 : i32
      %lt3A = arith.constant 80 : i32
      %lt3A_57 = arith.cmpi slt, %add3A_56, %lt3A : i32
      %convert_element_type3A_58 = arith.extui %lt3A_57 : i1 to i32
      %cond3A_59 = arith.constant 0 : i32
      %cond3A_60 = arith.cmpi ne, %convert_element_type3A_58, %cond3A_59 : i32
      scf.if %cond3A_60 {
        %add3A_71 = arith.constant 2 : i32
        %add3A_72 = arith.addi %mul3A_32, %add3A_71 : i32
        %dma_start3A_73 = arith.constant 0 : i32
        %dma_start3A_74 = tpu.memref_slice %arg7[%add3A_72, %dma_start3A_73] : memref<80x128xi32, #tpu.memory_space<vmem>> -> memref<1x128xi32, #tpu.memory_space<vmem>>
        %dma_start3A_75 = tpu.memref_squeeze %dma_start3A_74 : memref<1x128xi32, #tpu.memory_space<vmem>> -> memref<128xi32, #tpu.memory_space<vmem>>
        %dma_start3A_76 = arith.constant 0 : i32
        %dma_start3A_77 = arith.constant 0 : i32
        %dma_start3A_78 = tpu.memref_slice %arg2[%dma_start3A_76, %dma_start3A_77] : memref<10112x128xf32, #tpu.memory_space<hbm>> -> memref<10112x128xf32, #tpu.memory_space<hbm>>
        tpu.enqueue_indirect_dma source(%dma_start3A_78 : memref<10112x128xf32, #tpu.memory_space<hbm>>) target(%arg10 : memref<128x128xf32, #tpu.memory_space<vmem>>) offsets(%dma_start3A_75 : memref<128xi32, #tpu.memory_space<vmem>>) semaphore(%arg13 : memref<!tpu.dma_semaphore, #tpu.memory_space<semaphore_mem>>)
        %add3A_79 = arith.constant 2 : i32
        %add3A_80 = arith.addi %mul3A_32, %add3A_79 : i32
        %mul3A_81 = arith.constant 128 : i32
        %mul3A_82 = arith.muli %add3A_80, %mul3A_81 : i32
        %add3A_83 = arith.addi %mul3A_2, %mul3A_82 : i32
        %dma_start3A_84 = tpu.memref_slice %arg4[%add3A_83] : memref<327680xi32, #tpu.memory_space<hbm>> -> memref<128xi32, #tpu.memory_space<hbm>>
        %dma_start3A_85 = tpu.memref_slice %arg4[%add3A_83] : memref<327680xi32, #tpu.memory_space<hbm>> -> memref<128xi32, #tpu.memory_space<hbm>>
        tpu.enqueue_dma source(%dma_start3A_85 : memref<128xi32, #tpu.memory_space<hbm>>) target(%arg8 : memref<128xi32, #tpu.memory_space<vmem>>) target_semaphore(%arg15 : memref<!tpu.dma_semaphore, #tpu.memory_space<semaphore_mem>>)
      } else {
      }
      %add3A_61 = arith.constant 1 : i32
      %add3A_62 = arith.addi %mul3A_32, %add3A_61 : i32
      %dma_wait3A_63 = arith.constant 0 : i32
      %dma_wait3A_64 = tpu.memref_slice %arg7[%add3A_62, %dma_wait3A_63] : memref<80x128xi32, #tpu.memory_space<vmem>> -> memref<1x128xi32, #tpu.memory_space<vmem>>
      %dma_wait3A_65 = tpu.memref_squeeze %dma_wait3A_64 : memref<1x128xi32, #tpu.memory_space<vmem>> -> memref<128xi32, #tpu.memory_space<vmem>>
      %dma_wait3A_66 = arith.constant 0 : i32
      %dma_wait3A_67 = arith.constant 0 : i32
      %dma_wait3A_68 = tpu.memref_slice %arg2[%dma_wait3A_66, %dma_wait3A_67] : memref<10112x128xf32, #tpu.memory_space<hbm>> -> memref<10112x128xf32, #tpu.memory_space<hbm>>
      tpu.wait_indirect_dma semaphore(%arg14 : memref<!tpu.dma_semaphore, #tpu.memory_space<semaphore_mem>>) src(%dma_wait3A_68 : memref<10112x128xf32, #tpu.memory_space<hbm>>) dst(%arg11 : memref<128x128xf32, #tpu.memory_space<vmem>>)
      %dma_wait3A_69 = tpu.memref_slice %arg4[%mul3A_2] : memref<327680xi32, #tpu.memory_space<hbm>> -> memref<128xi32, #tpu.memory_space<hbm>>
      %dma_wait3A_70 = tpu.memref_slice %arg4[%mul3A_2] : memref<327680xi32, #tpu.memory_space<hbm>> -> memref<128xi32, #tpu.memory_space<hbm>>
      tpu.wait_dma2 semaphore(%arg16 : memref<!tpu.dma_semaphore, #tpu.memory_space<semaphore_mem>>) src(%dma_wait3A_70 : memref<128xi32, #tpu.memory_space<hbm>>) dst(%arg9 : memref<128xi32, #tpu.memory_space<vmem>>)
      "tpu.region"() ({
        %run_scoped3A = tpu.sem_alloc : memref<!tpu.dma_semaphore, #tpu.memory_space<semaphore_mem>>
        %dma_start3A_71 = arith.constant 0 : i32
        %dma_start3A_72 = arith.constant 0 : i32
        %dma_start3A_73 = tpu.memref_slice %arg12[%dma_start3A_71, %dma_start3A_72] : memref<10112x128xf32, #tpu.memory_space<vmem_shared>> -> memref<10112x128xf32, #tpu.memory_space<vmem_shared>>
        tpu.enqueue_indirect_dma source(%arg11 : memref<128x128xf32, #tpu.memory_space<vmem>>) target(%dma_start3A_73 : memref<10112x128xf32, #tpu.memory_space<vmem_shared>>) offsets(%arg9 : memref<128xi32, #tpu.memory_space<vmem>>) semaphore(%run_scoped3A : memref<!tpu.dma_semaphore, #tpu.memory_space<semaphore_mem>>) {add = true}
        %dma_wait3A_74 = arith.constant 0 : i32
        %dma_wait3A_75 = arith.constant 0 : i32
        %dma_wait3A_76 = tpu.memref_slice %arg12[%dma_wait3A_74, %dma_wait3A_75] : memref<10112x128xf32, #tpu.memory_space<vmem_shared>> -> memref<10112x128xf32, #tpu.memory_space<vmem_shared>>
        tpu.wait_indirect_dma semaphore(%run_scoped3A : memref<!tpu.dma_semaphore, #tpu.memory_space<semaphore_mem>>) src(%arg11 : memref<128x128xf32, #tpu.memory_space<vmem>>) dst(%dma_wait3A_76 : memref<10112x128xf32, #tpu.memory_space<vmem_shared>>)
        tpu.yield
      }) : () -> ()
    }
    %scan3A_24 = arith.constant 40 : i32
    %barrier3A_25 = arith.constant 0 : index
    tpu.barrier barrier_id(%barrier3A_25)
    %mul3A_26 = arith.constant 632 : i32
    %mul3A_27 = arith.muli %arg1, %mul3A_26 : i32
    %mul3A_28 = arith.constant 632 : i32
    %mul3A_29 = arith.muli %arg1, %mul3A_28 : i32
    "tpu.region"() ({
      %run_scoped3A = tpu.sem_alloc : memref<!tpu.dma_semaphore, #tpu.memory_space<semaphore_mem>>
      %dma_start3A_30 = arith.constant 0 : i32
      %dma_start3A_31 = tpu.memref_slice %arg6[%arg0, %mul3A_29, %dma_start3A_30] : memref<2x10112x128xf32, #tpu.memory_space<hbm>> -> memref<1x632x128xf32, #tpu.memory_space<hbm>>
      %dma_start3A_32 = tpu.memref_squeeze %dma_start3A_31 : memref<1x632x128xf32, #tpu.memory_space<hbm>> -> memref<632x128xf32, #tpu.memory_space<hbm>>
      %dma_start3A_33 = arith.constant 0 : i32
      %dma_start3A_34 = tpu.memref_slice %arg12[%mul3A_27, %dma_start3A_33] : memref<10112x128xf32, #tpu.memory_space<vmem_shared>> -> memref<632x128xf32, #tpu.memory_space<vmem_shared>>
      tpu.enqueue_dma source(%dma_start3A_34 : memref<632x128xf32, #tpu.memory_space<vmem_shared>>) target(%dma_start3A_32 : memref<632x128xf32, #tpu.memory_space<hbm>>) target_semaphore(%run_scoped3A : memref<!tpu.dma_semaphore, #tpu.memory_space<semaphore_mem>>)
      %dma_wait3A = arith.constant 0 : i32
      %dma_wait3A_35 = tpu.memref_slice %arg6[%arg0, %mul3A_29, %dma_wait3A] : memref<2x10112x128xf32, #tpu.memory_space<hbm>> -> memref<1x632x128xf32, #tpu.memory_space<hbm>>
      %dma_wait3A_36 = tpu.memref_squeeze %dma_wait3A_35 : memref<1x632x128xf32, #tpu.memory_space<hbm>> -> memref<632x128xf32, #tpu.memory_space<hbm>>
      %dma_wait3A_37 = arith.constant 0 : i32
      %dma_wait3A_38 = tpu.memref_slice %arg12[%mul3A_27, %dma_wait3A_37] : memref<10112x128xf32, #tpu.memory_space<vmem_shared>> -> memref<632x128xf32, #tpu.memory_space<vmem_shared>>
      tpu.wait_dma2 semaphore(%run_scoped3A : memref<!tpu.dma_semaphore, #tpu.memory_space<semaphore_mem>>) src(%dma_wait3A_38 : memref<632x128xf32, #tpu.memory_space<vmem_shared>>) dst(%dma_wait3A_36 : memref<632x128xf32, #tpu.memory_space<hbm>>)
      tpu.yield
    }) : () -> ()
    return
  }
}

#map = affine_map<(d0, d1) -> (0, 0)>
#map1 = affine_map<(d0, d1) -> (0)>
#map2 = affine_map<(d0, d1) -> (0, 0, 0)>
module attributes {stable_mosaic.version = 14 : i64} {
  func.func @_agg_kernel(%arg0: i32, %arg1: i32, %arg2: memref<10112x128xf32, #tpu.memory_space<hbm>>, %arg3: memref<2560x128xi32, #tpu.memory_space<hbm>>, %arg4: memref<327680xi32, #tpu.memory_space<hbm>>, %arg5: memref<632x128xf32, #tpu.memory_space<hbm>>, %arg6: memref<2x10112x128xf32, #tpu.memory_space<hbm>>, %arg7: memref<80x128xi32, #tpu.memory_space<vmem>>, %arg8: memref<128xi32, #tpu.memory_space<vmem>>, %arg9: memref<128xi32, #tpu.memory_space<vmem>>, %arg10: memref<128x128xf32, #tpu.memory_space<vmem>>, %arg11: memref<128x128xf32, #tpu.memory_space<vmem>>, %arg12: memref<10112x128xf32, #tpu.memory_space<vmem_shared>>, %arg13: memref<!tpu.dma_semaphore, #tpu.memory_space<semaphore_mem>>, %arg14: memref<!tpu.dma_semaphore, #tpu.memory_space<semaphore_mem>>, %arg15: memref<!tpu.dma_semaphore, #tpu.memory_space<semaphore_mem>>, %arg16: memref<!tpu.dma_semaphore, #tpu.memory_space<semaphore_mem>>) attributes {dimension_semantics = [#tpu.dimension_semantics<core_parallel>, #tpu.dimension_semantics<subcore_parallel>], iteration_bounds = array<i64: 2, 16>, scalar_prefetch = 0 : i64, scratch_operands = 10 : i64, tpu.core_type = #tpu.core_type<sc_vector_subcore>, window_params = [{transform_indices = #map}, {transform_indices = #map}, {transform_indices = #map1}, {transform_indices = #map}, {transform_indices = #map2}]} {
    %mul3A = arith.constant 16 : i32
    %mul3A_0 = arith.muli %arg0, %mul3A : i32
    %add3A = arith.addi %mul3A_0, %arg1 : i32
    %mul3A_1 = arith.constant 10240 : i32
    %mul3A_2 = arith.muli %add3A, %mul3A_1 : i32
    %eq3A = arith.constant 0 : i32
    %eq3A_3 = arith.cmpi eq, %arg0, %eq3A : i32
    %convert_element_type3A = arith.extui %eq3A_3 : i1 to i32
    %cond3A = arith.constant 0 : i32
    %cond3A_4 = arith.cmpi ne, %convert_element_type3A, %cond3A : i32
    scf.if %cond3A_4 {
      %mul3A_30 = arith.constant 632 : i32
      %mul3A_31 = arith.muli %arg1, %mul3A_30 : i32
      %mul3A_32 = arith.constant 632 : i32
      %mul3A_33 = arith.muli %arg1, %mul3A_32 : i32
      "tpu.region"() ({
        %run_scoped3A = tpu.sem_alloc : memref<!tpu.dma_semaphore, #tpu.memory_space<semaphore_mem>>
        %dma_start3A_34 = arith.constant 0 : i32
        %dma_start3A_35 = tpu.memref_slice %arg12[%mul3A_33, %dma_start3A_34] : memref<10112x128xf32, #tpu.memory_space<vmem_shared>> -> memref<632x128xf32, #tpu.memory_space<vmem_shared>>
        %dma_start3A_36 = arith.constant 0 : i32
        %dma_start3A_37 = tpu.memref_slice %arg2[%mul3A_31, %dma_start3A_36] : memref<10112x128xf32, #tpu.memory_space<hbm>> -> memref<632x128xf32, #tpu.memory_space<hbm>>
        tpu.enqueue_dma source(%dma_start3A_37 : memref<632x128xf32, #tpu.memory_space<hbm>>) target(%dma_start3A_35 : memref<632x128xf32, #tpu.memory_space<vmem_shared>>) target_semaphore(%run_scoped3A : memref<!tpu.dma_semaphore, #tpu.memory_space<semaphore_mem>>)
        %dma_wait3A = arith.constant 0 : i32
        %dma_wait3A_38 = tpu.memref_slice %arg12[%mul3A_33, %dma_wait3A] : memref<10112x128xf32, #tpu.memory_space<vmem_shared>> -> memref<632x128xf32, #tpu.memory_space<vmem_shared>>
        %dma_wait3A_39 = arith.constant 0 : i32
        %dma_wait3A_40 = tpu.memref_slice %arg2[%mul3A_31, %dma_wait3A_39] : memref<10112x128xf32, #tpu.memory_space<hbm>> -> memref<632x128xf32, #tpu.memory_space<hbm>>
        tpu.wait_dma2 semaphore(%run_scoped3A : memref<!tpu.dma_semaphore, #tpu.memory_space<semaphore_mem>>) src(%dma_wait3A_40 : memref<632x128xf32, #tpu.memory_space<hbm>>) dst(%dma_wait3A_38 : memref<632x128xf32, #tpu.memory_space<vmem_shared>>)
        tpu.yield
      }) : () -> ()
    } else {
    }
    %eq3A_5 = arith.constant 1 : i32
    %eq3A_6 = arith.cmpi eq, %arg0, %eq3A_5 : i32
    %convert_element_type3A_7 = arith.extui %eq3A_6 : i1 to i32
    %cond3A_8 = arith.constant 0 : i32
    %cond3A_9 = arith.cmpi ne, %convert_element_type3A_7, %cond3A_8 : i32
    scf.if %cond3A_9 {
      %mul3A_30 = arith.constant 632 : i32
      %mul3A_31 = arith.muli %arg1, %mul3A_30 : i32
      "tpu.region"() ({
        %run_scoped3A = tpu.sem_alloc : memref<!tpu.dma_semaphore, #tpu.memory_space<semaphore_mem>>
        %dma_start3A_32 = arith.constant 0 : i32
        %dma_start3A_33 = tpu.memref_slice %arg12[%mul3A_31, %dma_start3A_32] : memref<10112x128xf32, #tpu.memory_space<vmem_shared>> -> memref<632x128xf32, #tpu.memory_space<vmem_shared>>
        tpu.enqueue_dma source(%arg5 : memref<632x128xf32, #tpu.memory_space<hbm>>) target(%dma_start3A_33 : memref<632x128xf32, #tpu.memory_space<vmem_shared>>) target_semaphore(%run_scoped3A : memref<!tpu.dma_semaphore, #tpu.memory_space<semaphore_mem>>)
        %dma_wait3A = arith.constant 0 : i32
        %dma_wait3A_34 = tpu.memref_slice %arg12[%mul3A_31, %dma_wait3A] : memref<10112x128xf32, #tpu.memory_space<vmem_shared>> -> memref<632x128xf32, #tpu.memory_space<vmem_shared>>
        tpu.wait_dma2 semaphore(%run_scoped3A : memref<!tpu.dma_semaphore, #tpu.memory_space<semaphore_mem>>) src(%arg5 : memref<632x128xf32, #tpu.memory_space<hbm>>) dst(%dma_wait3A_34 : memref<632x128xf32, #tpu.memory_space<vmem_shared>>)
        tpu.yield
      }) : () -> ()
    } else {
    }
    %mul3A_10 = arith.constant 80 : i32
    %mul3A_11 = arith.muli %add3A, %mul3A_10 : i32
    "tpu.region"() ({
      %run_scoped3A = tpu.sem_alloc : memref<!tpu.dma_semaphore, #tpu.memory_space<semaphore_mem>>
      %dma_start3A_30 = arith.constant 0 : i32
      %dma_start3A_31 = tpu.memref_slice %arg3[%mul3A_11, %dma_start3A_30] : memref<2560x128xi32, #tpu.memory_space<hbm>> -> memref<80x128xi32, #tpu.memory_space<hbm>>
      %dma_start3A_32 = arith.constant 0 : i32
      %dma_start3A_33 = tpu.memref_slice %arg3[%mul3A_11, %dma_start3A_32] : memref<2560x128xi32, #tpu.memory_space<hbm>> -> memref<80x128xi32, #tpu.memory_space<hbm>>
      tpu.enqueue_dma source(%dma_start3A_33 : memref<80x128xi32, #tpu.memory_space<hbm>>) target(%arg7 : memref<80x128xi32, #tpu.memory_space<vmem>>) target_semaphore(%run_scoped3A : memref<!tpu.dma_semaphore, #tpu.memory_space<semaphore_mem>>)
      %dma_wait3A = arith.constant 0 : i32
      %dma_wait3A_34 = tpu.memref_slice %arg3[%mul3A_11, %dma_wait3A] : memref<2560x128xi32, #tpu.memory_space<hbm>> -> memref<80x128xi32, #tpu.memory_space<hbm>>
      %dma_wait3A_35 = arith.constant 0 : i32
      %dma_wait3A_36 = tpu.memref_slice %arg3[%mul3A_11, %dma_wait3A_35] : memref<2560x128xi32, #tpu.memory_space<hbm>> -> memref<80x128xi32, #tpu.memory_space<hbm>>
      tpu.wait_dma2 semaphore(%run_scoped3A : memref<!tpu.dma_semaphore, #tpu.memory_space<semaphore_mem>>) src(%dma_wait3A_36 : memref<80x128xi32, #tpu.memory_space<hbm>>) dst(%arg7 : memref<80x128xi32, #tpu.memory_space<vmem>>)
      tpu.yield
    }) : () -> ()
    %barrier3A = arith.constant 0 : index
    tpu.barrier barrier_id(%barrier3A)
    %dma_start3A = arith.constant 0 : i32
    %dma_start3A_12 = arith.constant 0 : i32
    %dma_start3A_13 = tpu.memref_slice %arg7[%dma_start3A, %dma_start3A_12] : memref<80x128xi32, #tpu.memory_space<vmem>> -> memref<1x128xi32, #tpu.memory_space<vmem>>
    %dma_start3A_14 = tpu.memref_squeeze %dma_start3A_13 : memref<1x128xi32, #tpu.memory_space<vmem>> -> memref<128xi32, #tpu.memory_space<vmem>>
    %dma_start3A_15 = arith.constant 0 : i32
    %dma_start3A_16 = arith.constant 0 : i32
    %dma_start3A_17 = tpu.memref_slice %arg2[%dma_start3A_15, %dma_start3A_16] : memref<10112x128xf32, #tpu.memory_space<hbm>> -> memref<10112x128xf32, #tpu.memory_space<hbm>>
    tpu.enqueue_indirect_dma source(%dma_start3A_17 : memref<10112x128xf32, #tpu.memory_space<hbm>>) target(%arg10 : memref<128x128xf32, #tpu.memory_space<vmem>>) offsets(%dma_start3A_14 : memref<128xi32, #tpu.memory_space<vmem>>) semaphore(%arg13 : memref<!tpu.dma_semaphore, #tpu.memory_space<semaphore_mem>>)
    %dma_start3A_18 = tpu.memref_slice %arg4[%mul3A_2] : memref<327680xi32, #tpu.memory_space<hbm>> -> memref<128xi32, #tpu.memory_space<hbm>>
    %dma_start3A_19 = tpu.memref_slice %arg4[%mul3A_2] : memref<327680xi32, #tpu.memory_space<hbm>> -> memref<128xi32, #tpu.memory_space<hbm>>
    tpu.enqueue_dma source(%dma_start3A_19 : memref<128xi32, #tpu.memory_space<hbm>>) target(%arg8 : memref<128xi32, #tpu.memory_space<vmem>>) target_semaphore(%arg15 : memref<!tpu.dma_semaphore, #tpu.memory_space<semaphore_mem>>)
    %scan3A = arith.constant 0 : i32
    %scan3A_20 = arith.constant 0 : i32
    %scan3A_21 = arith.constant 40 : i32
    %scan3A_22 = arith.addi %scan3A_20, %scan3A_21 : i32
    %scan3A_23 = arith.constant 1 : i32
    scf.for %scan3A_30 = %scan3A_20 to %scan3A_22 step %scan3A_23  : i32 {
      %mul3A_31 = arith.constant 2 : i32
      %mul3A_32 = arith.muli %mul3A_31, %scan3A_30 : i32
      %add3A_33 = arith.constant 1 : i32
      %add3A_34 = arith.addi %mul3A_32, %add3A_33 : i32
      %dma_start3A_35 = arith.constant 0 : i32
      %dma_start3A_36 = tpu.memref_slice %arg7[%add3A_34, %dma_start3A_35] : memref<80x128xi32, #tpu.memory_space<vmem>> -> memref<1x128xi32, #tpu.memory_space<vmem>>
      %dma_start3A_37 = tpu.memref_squeeze %dma_start3A_36 : memref<1x128xi32, #tpu.memory_space<vmem>> -> memref<128xi32, #tpu.memory_space<vmem>>
      %dma_start3A_38 = arith.constant 0 : i32
      %dma_start3A_39 = arith.constant 0 : i32
      %dma_start3A_40 = tpu.memref_slice %arg2[%dma_start3A_38, %dma_start3A_39] : memref<10112x128xf32, #tpu.memory_space<hbm>> -> memref<10112x128xf32, #tpu.memory_space<hbm>>
      tpu.enqueue_indirect_dma source(%dma_start3A_40 : memref<10112x128xf32, #tpu.memory_space<hbm>>) target(%arg11 : memref<128x128xf32, #tpu.memory_space<vmem>>) offsets(%dma_start3A_37 : memref<128xi32, #tpu.memory_space<vmem>>) semaphore(%arg14 : memref<!tpu.dma_semaphore, #tpu.memory_space<semaphore_mem>>)
      %add3A_41 = arith.constant 1 : i32
      %add3A_42 = arith.addi %mul3A_32, %add3A_41 : i32
      %mul3A_43 = arith.constant 128 : i32
      %mul3A_44 = arith.muli %add3A_42, %mul3A_43 : i32
      %add3A_45 = arith.addi %mul3A_2, %mul3A_44 : i32
      %dma_start3A_46 = tpu.memref_slice %arg4[%add3A_45] : memref<327680xi32, #tpu.memory_space<hbm>> -> memref<128xi32, #tpu.memory_space<hbm>>
      %dma_start3A_47 = tpu.memref_slice %arg4[%add3A_45] : memref<327680xi32, #tpu.memory_space<hbm>> -> memref<128xi32, #tpu.memory_space<hbm>>
      tpu.enqueue_dma source(%dma_start3A_47 : memref<128xi32, #tpu.memory_space<hbm>>) target(%arg9 : memref<128xi32, #tpu.memory_space<vmem>>) target_semaphore(%arg16 : memref<!tpu.dma_semaphore, #tpu.memory_space<semaphore_mem>>)
      %dma_wait3A = arith.constant 0 : i32
      %dma_wait3A_48 = tpu.memref_slice %arg7[%mul3A_32, %dma_wait3A] : memref<80x128xi32, #tpu.memory_space<vmem>> -> memref<1x128xi32, #tpu.memory_space<vmem>>
      %dma_wait3A_49 = tpu.memref_squeeze %dma_wait3A_48 : memref<1x128xi32, #tpu.memory_space<vmem>> -> memref<128xi32, #tpu.memory_space<vmem>>
      %dma_wait3A_50 = arith.constant 0 : i32
      %dma_wait3A_51 = arith.constant 0 : i32
      %dma_wait3A_52 = tpu.memref_slice %arg2[%dma_wait3A_50, %dma_wait3A_51] : memref<10112x128xf32, #tpu.memory_space<hbm>> -> memref<10112x128xf32, #tpu.memory_space<hbm>>
      tpu.wait_indirect_dma semaphore(%arg13 : memref<!tpu.dma_semaphore, #tpu.memory_space<semaphore_mem>>) src(%dma_wait3A_52 : memref<10112x128xf32, #tpu.memory_space<hbm>>) dst(%arg10 : memref<128x128xf32, #tpu.memory_space<vmem>>)
      %dma_wait3A_53 = tpu.memref_slice %arg4[%mul3A_2] : memref<327680xi32, #tpu.memory_space<hbm>> -> memref<128xi32, #tpu.memory_space<hbm>>
      %dma_wait3A_54 = tpu.memref_slice %arg4[%mul3A_2] : memref<327680xi32, #tpu.memory_space<hbm>> -> memref<128xi32, #tpu.memory_space<hbm>>
      tpu.wait_dma2 semaphore(%arg15 : memref<!tpu.dma_semaphore, #tpu.memory_space<semaphore_mem>>) src(%dma_wait3A_54 : memref<128xi32, #tpu.memory_space<hbm>>) dst(%arg8 : memref<128xi32, #tpu.memory_space<vmem>>)
      "tpu.region"() ({
        %run_scoped3A = tpu.sem_alloc : memref<!tpu.dma_semaphore, #tpu.memory_space<semaphore_mem>>
        %dma_start3A_71 = arith.constant 0 : i32
        %dma_start3A_72 = arith.constant 0 : i32
        %dma_start3A_73 = tpu.memref_slice %arg12[%dma_start3A_71, %dma_start3A_72] : memref<10112x128xf32, #tpu.memory_space<vmem_shared>> -> memref<10112x128xf32, #tpu.memory_space<vmem_shared>>
        tpu.enqueue_indirect_dma source(%arg10 : memref<128x128xf32, #tpu.memory_space<vmem>>) target(%dma_start3A_73 : memref<10112x128xf32, #tpu.memory_space<vmem_shared>>) offsets(%arg8 : memref<128xi32, #tpu.memory_space<vmem>>) semaphore(%run_scoped3A : memref<!tpu.dma_semaphore, #tpu.memory_space<semaphore_mem>>) {add = true}
        %dma_wait3A_74 = arith.constant 0 : i32
        %dma_wait3A_75 = arith.constant 0 : i32
        %dma_wait3A_76 = tpu.memref_slice %arg12[%dma_wait3A_74, %dma_wait3A_75] : memref<10112x128xf32, #tpu.memory_space<vmem_shared>> -> memref<10112x128xf32, #tpu.memory_space<vmem_shared>>
        tpu.wait_indirect_dma semaphore(%run_scoped3A : memref<!tpu.dma_semaphore, #tpu.memory_space<semaphore_mem>>) src(%arg10 : memref<128x128xf32, #tpu.memory_space<vmem>>) dst(%dma_wait3A_76 : memref<10112x128xf32, #tpu.memory_space<vmem_shared>>)
        tpu.yield
      }) : () -> ()
      %add3A_55 = arith.constant 2 : i32
      %add3A_56 = arith.addi %mul3A_32, %add3A_55 : i32
      %lt3A = arith.constant 80 : i32
      %lt3A_57 = arith.cmpi slt, %add3A_56, %lt3A : i32
      %convert_element_type3A_58 = arith.extui %lt3A_57 : i1 to i32
      %cond3A_59 = arith.constant 0 : i32
      %cond3A_60 = arith.cmpi ne, %convert_element_type3A_58, %cond3A_59 : i32
      scf.if %cond3A_60 {
        %add3A_71 = arith.constant 2 : i32
        %add3A_72 = arith.addi %mul3A_32, %add3A_71 : i32
        %dma_start3A_73 = arith.constant 0 : i32
        %dma_start3A_74 = tpu.memref_slice %arg7[%add3A_72, %dma_start3A_73] : memref<80x128xi32, #tpu.memory_space<vmem>> -> memref<1x128xi32, #tpu.memory_space<vmem>>
        %dma_start3A_75 = tpu.memref_squeeze %dma_start3A_74 : memref<1x128xi32, #tpu.memory_space<vmem>> -> memref<128xi32, #tpu.memory_space<vmem>>
        %dma_start3A_76 = arith.constant 0 : i32
        %dma_start3A_77 = arith.constant 0 : i32
        %dma_start3A_78 = tpu.memref_slice %arg2[%dma_start3A_76, %dma_start3A_77] : memref<10112x128xf32, #tpu.memory_space<hbm>> -> memref<10112x128xf32, #tpu.memory_space<hbm>>
        tpu.enqueue_indirect_dma source(%dma_start3A_78 : memref<10112x128xf32, #tpu.memory_space<hbm>>) target(%arg10 : memref<128x128xf32, #tpu.memory_space<vmem>>) offsets(%dma_start3A_75 : memref<128xi32, #tpu.memory_space<vmem>>) semaphore(%arg13 : memref<!tpu.dma_semaphore, #tpu.memory_space<semaphore_mem>>)
        %add3A_79 = arith.constant 2 : i32
        %add3A_80 = arith.addi %mul3A_32, %add3A_79 : i32
        %mul3A_81 = arith.constant 128 : i32
        %mul3A_82 = arith.muli %add3A_80, %mul3A_81 : i32
        %add3A_83 = arith.addi %mul3A_2, %mul3A_82 : i32
        %dma_start3A_84 = tpu.memref_slice %arg4[%add3A_83] : memref<327680xi32, #tpu.memory_space<hbm>> -> memref<128xi32, #tpu.memory_space<hbm>>
        %dma_start3A_85 = tpu.memref_slice %arg4[%add3A_83] : memref<327680xi32, #tpu.memory_space<hbm>> -> memref<128xi32, #tpu.memory_space<hbm>>
        tpu.enqueue_dma source(%dma_start3A_85 : memref<128xi32, #tpu.memory_space<hbm>>) target(%arg8 : memref<128xi32, #tpu.memory_space<vmem>>) target_semaphore(%arg15 : memref<!tpu.dma_semaphore, #tpu.memory_space<semaphore_mem>>)
      } else {
      }
      %add3A_61 = arith.constant 1 : i32
      %add3A_62 = arith.addi %mul3A_32, %add3A_61 : i32
      %dma_wait3A_63 = arith.constant 0 : i32
      %dma_wait3A_64 = tpu.memref_slice %arg7[%add3A_62, %dma_wait3A_63] : memref<80x128xi32, #tpu.memory_space<vmem>> -> memref<1x128xi32, #tpu.memory_space<vmem>>
      %dma_wait3A_65 = tpu.memref_squeeze %dma_wait3A_64 : memref<1x128xi32, #tpu.memory_space<vmem>> -> memref<128xi32, #tpu.memory_space<vmem>>
      %dma_wait3A_66 = arith.constant 0 : i32
      %dma_wait3A_67 = arith.constant 0 : i32
      %dma_wait3A_68 = tpu.memref_slice %arg2[%dma_wait3A_66, %dma_wait3A_67] : memref<10112x128xf32, #tpu.memory_space<hbm>> -> memref<10112x128xf32, #tpu.memory_space<hbm>>
      tpu.wait_indirect_dma semaphore(%arg14 : memref<!tpu.dma_semaphore, #tpu.memory_space<semaphore_mem>>) src(%dma_wait3A_68 : memref<10112x128xf32, #tpu.memory_space<hbm>>) dst(%arg11 : memref<128x128xf32, #tpu.memory_space<vmem>>)
      %dma_wait3A_69 = tpu.memref_slice %arg4[%mul3A_2] : memref<327680xi32, #tpu.memory_space<hbm>> -> memref<128xi32, #tpu.memory_space<hbm>>
      %dma_wait3A_70 = tpu.memref_slice %arg4[%mul3A_2] : memref<327680xi32, #tpu.memory_space<hbm>> -> memref<128xi32, #tpu.memory_space<hbm>>
      tpu.wait_dma2 semaphore(%arg16 : memref<!tpu.dma_semaphore, #tpu.memory_space<semaphore_mem>>) src(%dma_wait3A_70 : memref<128xi32, #tpu.memory_space<hbm>>) dst(%arg9 : memref<128xi32, #tpu.memory_space<vmem>>)
      "tpu.region"() ({
        %run_scoped3A = tpu.sem_alloc : memref<!tpu.dma_semaphore, #tpu.memory_space<semaphore_mem>>
        %dma_start3A_71 = arith.constant 0 : i32
        %dma_start3A_72 = arith.constant 0 : i32
        %dma_start3A_73 = tpu.memref_slice %arg12[%dma_start3A_71, %dma_start3A_72] : memref<10112x128xf32, #tpu.memory_space<vmem_shared>> -> memref<10112x128xf32, #tpu.memory_space<vmem_shared>>
        tpu.enqueue_indirect_dma source(%arg11 : memref<128x128xf32, #tpu.memory_space<vmem>>) target(%dma_start3A_73 : memref<10112x128xf32, #tpu.memory_space<vmem_shared>>) offsets(%arg9 : memref<128xi32, #tpu.memory_space<vmem>>) semaphore(%run_scoped3A : memref<!tpu.dma_semaphore, #tpu.memory_space<semaphore_mem>>) {add = true}
        %dma_wait3A_74 = arith.constant 0 : i32
        %dma_wait3A_75 = arith.constant 0 : i32
        %dma_wait3A_76 = tpu.memref_slice %arg12[%dma_wait3A_74, %dma_wait3A_75] : memref<10112x128xf32, #tpu.memory_space<vmem_shared>> -> memref<10112x128xf32, #tpu.memory_space<vmem_shared>>
        tpu.wait_indirect_dma semaphore(%run_scoped3A : memref<!tpu.dma_semaphore, #tpu.memory_space<semaphore_mem>>) src(%arg11 : memref<128x128xf32, #tpu.memory_space<vmem>>) dst(%dma_wait3A_76 : memref<10112x128xf32, #tpu.memory_space<vmem_shared>>)
        tpu.yield
      }) : () -> ()
    }
    %scan3A_24 = arith.constant 40 : i32
    %barrier3A_25 = arith.constant 0 : index
    tpu.barrier barrier_id(%barrier3A_25)
    %mul3A_26 = arith.constant 632 : i32
    %mul3A_27 = arith.muli %arg1, %mul3A_26 : i32
    %mul3A_28 = arith.constant 632 : i32
    %mul3A_29 = arith.muli %arg1, %mul3A_28 : i32
    "tpu.region"() ({
      %run_scoped3A = tpu.sem_alloc : memref<!tpu.dma_semaphore, #tpu.memory_space<semaphore_mem>>
      %dma_start3A_30 = arith.constant 0 : i32
      %dma_start3A_31 = tpu.memref_slice %arg6[%arg0, %mul3A_29, %dma_start3A_30] : memref<2x10112x128xf32, #tpu.memory_space<hbm>> -> memref<1x632x128xf32, #tpu.memory_space<hbm>>
      %dma_start3A_32 = tpu.memref_squeeze %dma_start3A_31 : memref<1x632x128xf32, #tpu.memory_space<hbm>> -> memref<632x128xf32, #tpu.memory_space<hbm>>
      %dma_start3A_33 = arith.constant 0 : i32
      %dma_start3A_34 = tpu.memref_slice %arg12[%mul3A_27, %dma_start3A_33] : memref<10112x128xf32, #tpu.memory_space<vmem_shared>> -> memref<632x128xf32, #tpu.memory_space<vmem_shared>>
      tpu.enqueue_dma source(%dma_start3A_34 : memref<632x128xf32, #tpu.memory_space<vmem_shared>>) target(%dma_start3A_32 : memref<632x128xf32, #tpu.memory_space<hbm>>) target_semaphore(%run_scoped3A : memref<!tpu.dma_semaphore, #tpu.memory_space<semaphore_mem>>)
      %dma_wait3A = arith.constant 0 : i32
      %dma_wait3A_35 = tpu.memref_slice %arg6[%arg0, %mul3A_29, %dma_wait3A] : memref<2x10112x128xf32, #tpu.memory_space<hbm>> -> memref<1x632x128xf32, #tpu.memory_space<hbm>>
      %dma_wait3A_36 = tpu.memref_squeeze %dma_wait3A_35 : memref<1x632x128xf32, #tpu.memory_space<hbm>> -> memref<632x128xf32, #tpu.memory_space<hbm>>
      %dma_wait3A_37 = arith.constant 0 : i32
      %dma_wait3A_38 = tpu.memref_slice %arg12[%mul3A_27, %dma_wait3A_37] : memref<10112x128xf32, #tpu.memory_space<vmem_shared>> -> memref<632x128xf32, #tpu.memory_space<vmem_shared>>
      tpu.wait_dma2 semaphore(%run_scoped3A : memref<!tpu.dma_semaphore, #tpu.memory_space<semaphore_mem>>) src(%dma_wait3A_38 : memref<632x128xf32, #tpu.memory_space<vmem_shared>>) dst(%dma_wait3A_36 : memref<632x128xf32, #tpu.memory_space<hbm>>)
      tpu.yield
    }) : () -> ()
    return
  }
}

module attributes {stable_mosaic.version = 14 : i64} {
  func.func @_prep_body(%arg0: i32, %arg1: memref<5056x128xf32, #tpu.memory_space<vmem>>, %arg2: memref<128x128xf32, #tpu.memory_space<vmem>>, %arg3: memref<5056x128xf32, #tpu.memory_space<vmem>>, %arg4: memref<5056x128xf32, #tpu.memory_space<vmem>>, %arg5: memref<1x1xf32, #tpu.memory_space<vmem>>, %arg6: memref<1x128xf32, #tpu.memory_space<vmem>>, %arg7: memref<1x128xf32, #tpu.memory_space<vmem>>, %arg8: memref<128x128xf32, #tpu.memory_space<vmem>>, %arg9: memref<1x128xf32, #tpu.memory_space<vmem>>, %arg10: memref<5056x128xf32, #tpu.memory_space<vmem>>, %arg11: memref<5056x128xf32, #tpu.memory_space<vmem>>, %arg12: memref<1x128xf32, #tpu.memory_space<vmem>>) attributes {dimension_semantics = [#tpu.dimension_semantics<arbitrary>], iteration_bounds = array<i64: 2>, scalar_prefetch = 0 : i64, scratch_operands = 0 : i64, tpu.core_type = #tpu.core_type<tc>, window_params = [{transform_indices = @transform_0, window_bounds = array<i64: 5056, 128>}, {pipeline_mode = #tpu.pipeline_mode<synchronous>, transform_indices = @transform_1, window_bounds = array<i64: 128, 128>}, {transform_indices = @transform_2, window_bounds = array<i64: 5056, 128>}, {transform_indices = @transform_3, window_bounds = array<i64: 5056, 128>}, {pipeline_mode = #tpu.pipeline_mode<synchronous>, transform_indices = @transform_4, window_bounds = array<i64: 1, 1>}, {pipeline_mode = #tpu.pipeline_mode<synchronous>, transform_indices = @transform_5, window_bounds = array<i64: 1, 128>}, {pipeline_mode = #tpu.pipeline_mode<synchronous>, transform_indices = @transform_6, window_bounds = array<i64: 1, 128>}, {pipeline_mode = #tpu.pipeline_mode<synchronous>, transform_indices = @transform_7, window_bounds = array<i64: 128, 128>}, {pipeline_mode = #tpu.pipeline_mode<synchronous>, transform_indices = @transform_8, window_bounds = array<i64: 1, 128>}, {transform_indices = @transform_9, window_bounds = array<i64: 5056, 128>}, {transform_indices = @transform_10, window_bounds = array<i64: 5056, 128>}, {pipeline_mode = #tpu.pipeline_mode<synchronous>, transform_indices = @transform_11, window_bounds = array<i64: 1, 128>}]} {
    %get3A = arith.constant 0 : index
    %get3A_0 = arith.constant 0 : index
    %get3A_1 = vector.load %arg3[%get3A, %get3A_0] : memref<5056x128xf32, #tpu.memory_space<vmem>>, vector<5056x128xf32>
    %get3A_2 = arith.constant 0 : index
    %get3A_3 = arith.constant 0 : index
    %get3A_4 = vector.load %arg4[%get3A_2, %get3A_3] : memref<5056x128xf32, #tpu.memory_space<vmem>>, vector<5056x128xf32>
    %add3A = arith.addf %get3A_1, %get3A_4 : vector<5056x128xf32>
    %add3A_5 = arith.constant 1.000000e+00 : f32
    %add3A_6 = vector.broadcast %add3A_5 : f32 to vector<5056x128xf32>
    %add3A_7 = arith.addf %add3A, %add3A_6 : vector<5056x128xf32>
    %iota3A = tpu.iota {dimensions = array<i32: 0>} : vector<5056x128xi32>
    %mul3A = arith.constant 5056 : i32
    %mul3A_8 = arith.muli %arg0, %mul3A : i32
    %add3A_9 = vector.broadcast %mul3A_8 : i32 to vector<5056x128xi32>
    %add3A_10 = arith.addi %iota3A, %add3A_9 : vector<5056x128xi32>
    %lt3A = arith.constant 10000 : i32
    %lt3A_11 = vector.broadcast %lt3A : i32 to vector<5056x128xi32>
    %lt3A_12 = arith.cmpi slt, %add3A_10, %lt3A_11 : vector<5056x128xi32>
    %rsqrt3A = math.rsqrt %add3A_7 : vector<5056x128xf32>
    %jit3A = arith.constant 0.000000e+00 : f32
    %broadcast_in_dim3A = vector.broadcast %jit3A : f32 to vector<5056x128xf32>
    %select_n3A = arith.select %lt3A_12, %rsqrt3A, %broadcast_in_dim3A : vector<5056x128xi1>, vector<5056x128xf32>
    %get3A_13 = arith.constant 0 : index
    %get3A_14 = arith.constant 0 : index
    %get3A_15 = vector.load %arg1[%get3A_13, %get3A_14] : memref<5056x128xf32, #tpu.memory_space<vmem>>, vector<5056x128xf32>
    %get3A_16 = arith.constant 0 : index
    %get3A_17 = arith.constant 0 : index
    %get3A_18 = vector.load %arg2[%get3A_16, %get3A_17] : memref<128x128xf32, #tpu.memory_space<vmem>>, vector<128x128xf32>
    %dot_general3A = arith.constant dense<0.000000e+00> : vector<5056x128xf32>
    %dot_general3A_19 = tpu.matmul %get3A_15, %get3A_18, %dot_general3A {dimension_numbers = #tpu.dot_dimension_numbers<[1], [1], [0], [0], [0, 0, 1, 0], [], []>, transpose_lhs_hint = false} : vector<5056x128xf32>, vector<128x128xf32>, vector<5056x128xf32> -> vector<5056x128xf32>
    %lt3A_20 = arith.constant 10000 : i32
    %lt3A_21 = vector.broadcast %lt3A_20 : i32 to vector<5056x128xi32>
    %lt3A_22 = arith.cmpi slt, %add3A_10, %lt3A_21 : vector<5056x128xi32>
    %mul3A_23 = arith.mulf %select_n3A, %dot_general3A_19 : vector<5056x128xf32>
    %jit3A_24 = arith.constant 0.000000e+00 : f32
    %broadcast_in_dim3A_25 = vector.broadcast %jit3A_24 : f32 to vector<5056x128xf32>
    %select_n3A_26 = arith.select %lt3A_22, %mul3A_23, %broadcast_in_dim3A_25 : vector<5056x128xi1>, vector<5056x128xf32>
    %swap3A = arith.constant 0 : index
    %swap3A_27 = arith.constant 0 : index
    %swap3A_28 = vector.load %arg10[%swap3A, %swap3A_27] : memref<5056x128xf32, #tpu.memory_space<vmem>>, vector<5056x128xf32>
    tpu.vector_store %arg10[%swap3A, %swap3A_27], %select_n3A_26 {strides = array<i32>} : memref<5056x128xf32, #tpu.memory_space<vmem>>, vector<5056x128xf32>,
    %swap3A_29 = arith.constant 0 : index
    %swap3A_30 = arith.constant 0 : index
    %swap3A_31 = vector.load %arg11[%swap3A_29, %swap3A_30] : memref<5056x128xf32, #tpu.memory_space<vmem>>, vector<5056x128xf32>
    tpu.vector_store %arg11[%swap3A_29, %swap3A_30], %select_n3A {strides = array<i32>} : memref<5056x128xf32, #tpu.memory_space<vmem>>, vector<5056x128xf32>,
    %get3A_32 = arith.constant 0 : index
    %get3A_33 = arith.constant 0 : index
    %get3A_34 = vector.load %arg5[%get3A_32, %get3A_33] : memref<1x1xf32, #tpu.memory_space<vmem>>, vector<1x1xf32>
    %get3A_35 = vector.extract %get3A_34[0, 0] : f32 from vector<1x1xf32>
    %get3A_36 = arith.constant 0 : index
    %get3A_37 = arith.constant 0 : index
    %get3A_38 = vector.load %arg6[%get3A_36, %get3A_37] : memref<1x128xf32, #tpu.memory_space<vmem>>, vector<1x128xf32>
    %mul3A_39 = vector.broadcast %get3A_35 : f32 to vector<1x128xf32>
    %mul3A_40 = arith.mulf %mul3A_39, %get3A_38 : vector<1x128xf32>
    %get3A_41 = arith.constant 0 : index
    %get3A_42 = arith.constant 0 : index
    %get3A_43 = vector.load %arg7[%get3A_41, %get3A_42] : memref<1x128xf32, #tpu.memory_space<vmem>>, vector<1x128xf32>
    %add3A_44 = arith.addf %mul3A_40, %get3A_43 : vector<1x128xf32>
    %tanh3A = math.tanh %add3A_44 : vector<1x128xf32>
    %get3A_45 = arith.constant 0 : index
    %get3A_46 = arith.constant 0 : index
    %get3A_47 = vector.load %arg8[%get3A_45, %get3A_46] : memref<128x128xf32, #tpu.memory_space<vmem>>, vector<128x128xf32>
    %dot_general3A_48 = arith.constant dense<0.000000e+00> : vector<1x128xf32>
    %dot_general3A_49 = tpu.matmul %tanh3A, %get3A_47, %dot_general3A_48 {dimension_numbers = #tpu.dot_dimension_numbers<[1], [1], [0], [0], [0, 0, 1, 0], [], []>, transpose_lhs_hint = false} : vector<1x128xf32>, vector<128x128xf32>, vector<1x128xf32> -> vector<1x128xf32>
    %get3A_50 = arith.constant 0 : index
    %get3A_51 = arith.constant 0 : index
    %get3A_52 = vector.load %arg9[%get3A_50, %get3A_51] : memref<1x128xf32, #tpu.memory_space<vmem>>, vector<1x128xf32>
    %add3A_53 = arith.addf %dot_general3A_49, %get3A_52 : vector<1x128xf32>
    %logistic3A = arith.negf %add3A_53 : vector<1x128xf32>
    %logistic3A_54 = math.exp %logistic3A : vector<1x128xf32>
    %logistic3A_55 = arith.constant 1.000000e+00 : f32
    %logistic3A_56 = vector.broadcast %logistic3A_55 : f32 to vector<1x128xf32>
    %logistic3A_57 = arith.addf %logistic3A_56, %logistic3A_54 : vector<1x128xf32>
    %logistic3A_58 = arith.divf %logistic3A_56, %logistic3A_57 : vector<1x128xf32>
    %swap3A_59 = arith.constant 0 : index
    %swap3A_60 = arith.constant 0 : index
    %swap3A_61 = vector.load %arg12[%swap3A_59, %swap3A_60] : memref<1x128xf32, #tpu.memory_space<vmem>>, vector<1x128xf32>
    tpu.vector_store %arg12[%swap3A_59, %swap3A_60], %logistic3A_58 {strides = array<i32>} : memref<1x128xf32, #tpu.memory_space<vmem>>, vector<1x128xf32>,
    return
  }
  func.func @transform_0(%arg0: i32) -> (i32, i32) {
    %c0_i32 = arith.constant 0 : i32
    %c0_i32_0 = arith.constant 0 : i32
    return %arg0, %c0_i32 : i32, i32
  }
  func.func @transform_1(%arg0: i32) -> (i32, i32) {
    %c0_i32 = arith.constant 0 : i32
    %c0_i32_0 = arith.constant 0 : i32
    %c0_i32_1 = arith.constant 0 : i32
    return %c0_i32, %c0_i32_0 : i32, i32
  }
  func.func @transform_2(%arg0: i32) -> (i32, i32) {
    %c0_i32 = arith.constant 0 : i32
    %c0_i32_0 = arith.constant 0 : i32
    return %arg0, %c0_i32 : i32, i32
  }
  func.func @transform_3(%arg0: i32) -> (i32, i32) {
    %c0_i32 = arith.constant 0 : i32
    %c0_i32_0 = arith.constant 0 : i32
    return %arg0, %c0_i32 : i32, i32
  }
  func.func @transform_4(%arg0: i32) -> (i32, i32) {
    %c0_i32 = arith.constant 0 : i32
    %c0_i32_0 = arith.constant 0 : i32
    %c0_i32_1 = arith.constant 0 : i32
    return %c0_i32, %c0_i32_0 : i32, i32
  }
  func.func @transform_5(%arg0: i32) -> (i32, i32) {
    %c0_i32 = arith.constant 0 : i32
    %c0_i32_0 = arith.constant 0 : i32
    %c0_i32_1 = arith.constant 0 : i32
    return %c0_i32, %c0_i32_0 : i32, i32
  }
  func.func @transform_6(%arg0: i32) -> (i32, i32) {
    %c0_i32 = arith.constant 0 : i32
    %c0_i32_0 = arith.constant 0 : i32
    %c0_i32_1 = arith.constant 0 : i32
    return %c0_i32, %c0_i32_0 : i32, i32
  }
  func.func @transform_7(%arg0: i32) -> (i32, i32) {
    %c0_i32 = arith.constant 0 : i32
    %c0_i32_0 = arith.constant 0 : i32
    %c0_i32_1 = arith.constant 0 : i32
    return %c0_i32, %c0_i32_0 : i32, i32
  }
  func.func @transform_8(%arg0: i32) -> (i32, i32) {
    %c0_i32 = arith.constant 0 : i32
    %c0_i32_0 = arith.constant 0 : i32
    %c0_i32_1 = arith.constant 0 : i32
    return %c0_i32, %c0_i32_0 : i32, i32
  }
  func.func @transform_9(%arg0: i32) -> (i32, i32) {
    %c0_i32 = arith.constant 0 : i32
    %c0_i32_0 = arith.constant 0 : i32
    return %arg0, %c0_i32 : i32, i32
  }
  func.func @transform_10(%arg0: i32) -> (i32, i32) {
    %c0_i32 = arith.constant 0 : i32
    %c0_i32_0 = arith.constant 0 : i32
    return %arg0, %c0_i32 : i32, i32
  }
  func.func @transform_11(%arg0: i32) -> (i32, i32) {
    %c0_i32 = arith.constant 0 : i32
    %c0_i32_0 = arith.constant 0 : i32
    %c0_i32_1 = arith.constant 0 : i32
    return %c0_i32, %c0_i32_0 : i32, i32
  }
}

module attributes {stable_mosaic.version = 14 : i64} {
  func.func @_layer_body(%arg0: i32, %arg1: memref<2x5056x128xf32, #tpu.memory_space<vmem>>, %arg2: memref<5056x128xf32, #tpu.memory_space<vmem>>, %arg3: memref<1x128xf32, #tpu.memory_space<vmem>>, %arg4: memref<1x128xf32, #tpu.memory_space<vmem>>, %arg5: memref<128x128xf32, #tpu.memory_space<vmem>>, %arg6: memref<5056x128xf32, #tpu.memory_space<vmem>>) attributes {dimension_semantics = [#tpu.dimension_semantics<arbitrary>], iteration_bounds = array<i64: 2>, scalar_prefetch = 0 : i64, scratch_operands = 0 : i64, tpu.core_type = #tpu.core_type<tc>, window_params = [{transform_indices = @transform_0, window_bounds = array<i64: 2, 5056, 128>}, {transform_indices = @transform_1, window_bounds = array<i64: 5056, 128>}, {pipeline_mode = #tpu.pipeline_mode<synchronous>, transform_indices = @transform_2, window_bounds = array<i64: 1, 128>}, {pipeline_mode = #tpu.pipeline_mode<synchronous>, transform_indices = @transform_3, window_bounds = array<i64: 1, 128>}, {pipeline_mode = #tpu.pipeline_mode<synchronous>, transform_indices = @transform_4, window_bounds = array<i64: 128, 128>}, {transform_indices = @transform_5, window_bounds = array<i64: 5056, 128>}]} {
    %get3A = arith.constant 0 : index
    %get3A_0 = arith.constant 0 : index
    %get3A_1 = arith.constant 0 : index
    %get3A_2 = vector.load %arg1[%get3A, %get3A_0, %get3A_1] : memref<2x5056x128xf32, #tpu.memory_space<vmem>>, vector<1x5056x128xf32>
    %get3A_3 = vector.shape_cast %get3A_2 : vector<1x5056x128xf32> to vector<5056x128xf32>
    %get3A_4 = arith.constant 1 : index
    %get3A_5 = arith.constant 0 : index
    %get3A_6 = arith.constant 0 : index
    %get3A_7 = vector.load %arg1[%get3A_4, %get3A_5, %get3A_6] : memref<2x5056x128xf32, #tpu.memory_space<vmem>>, vector<1x5056x128xf32>
    %get3A_8 = vector.shape_cast %get3A_7 : vector<1x5056x128xf32> to vector<5056x128xf32>
    %add3A = arith.addf %get3A_3, %get3A_8 : vector<5056x128xf32>
    %get3A_9 = arith.constant 0 : index
    %get3A_10 = arith.constant 0 : index
    %get3A_11 = vector.load %arg3[%get3A_9, %get3A_10] : memref<1x128xf32, #tpu.memory_space<vmem>>, vector<1x128xf32>
    %get3A_12 = arith.constant 0 : index
    %get3A_13 = arith.constant 0 : index
    %get3A_14 = vector.load %arg2[%get3A_12, %get3A_13] : memref<5056x128xf32, #tpu.memory_space<vmem>>, vector<5056x128xf32>
    %mul3A = arith.mulf %get3A_14, %add3A : vector<5056x128xf32>
    %get3A_15 = arith.constant 0 : index
    %get3A_16 = arith.constant 0 : index
    %get3A_17 = vector.load %arg4[%get3A_15, %get3A_16] : memref<1x128xf32, #tpu.memory_space<vmem>>, vector<1x128xf32>
    %add3A_18 = vector.broadcast %get3A_17 : vector<1x128xf32> to vector<5056x128xf32>
    %add3A_19 = arith.addf %mul3A, %add3A_18 : vector<5056x128xf32>
    %max3A = arith.constant 0.000000e+00 : f32
    %max3A_20 = vector.broadcast %max3A : f32 to vector<5056x128xf32>
    %max3A_21 = arith.maximumf %add3A_19, %max3A_20 : vector<5056x128xf32>
    %mul3A_22 = vector.broadcast %get3A_11 : vector<1x128xf32> to vector<5056x128xf32>
    %mul3A_23 = arith.mulf %mul3A_22, %max3A_21 : vector<5056x128xf32>
    %get3A_24 = arith.constant 0 : index
    %get3A_25 = arith.constant 0 : index
    %get3A_26 = vector.load %arg2[%get3A_24, %get3A_25] : memref<5056x128xf32, #tpu.memory_space<vmem>>, vector<5056x128xf32>
    %get3A_27 = arith.constant 0 : index
    %get3A_28 = arith.constant 0 : index
    %get3A_29 = vector.load %arg5[%get3A_27, %get3A_28] : memref<128x128xf32, #tpu.memory_space<vmem>>, vector<128x128xf32>
    %dot_general3A = arith.constant dense<0.000000e+00> : vector<5056x128xf32>
    %dot_general3A_30 = tpu.matmul %mul3A_23, %get3A_29, %dot_general3A {dimension_numbers = #tpu.dot_dimension_numbers<[1], [1], [0], [0], [0, 0, 1, 0], [], []>, transpose_lhs_hint = false} : vector<5056x128xf32>, vector<128x128xf32>, vector<5056x128xf32> -> vector<5056x128xf32>
    %mul3A_31 = arith.mulf %get3A_26, %dot_general3A_30 : vector<5056x128xf32>
    %swap3A = arith.constant 0 : index
    %swap3A_32 = arith.constant 0 : index
    %swap3A_33 = vector.load %arg6[%swap3A, %swap3A_32] : memref<5056x128xf32, #tpu.memory_space<vmem>>, vector<5056x128xf32>
    tpu.vector_store %arg6[%swap3A, %swap3A_32], %mul3A_31 {strides = array<i32>} : memref<5056x128xf32, #tpu.memory_space<vmem>>, vector<5056x128xf32>,
    return
  }
  func.func @transform_0(%arg0: i32) -> (i32, i32, i32) {
    %c0_i32 = arith.constant 0 : i32
    %c0_i32_0 = arith.constant 0 : i32
    %c0_i32_1 = arith.constant 0 : i32
    return %c0_i32, %arg0, %c0_i32_0 : i32, i32, i32
  }
  func.func @transform_1(%arg0: i32) -> (i32, i32) {
    %c0_i32 = arith.constant 0 : i32
    %c0_i32_0 = arith.constant 0 : i32
    return %arg0, %c0_i32 : i32, i32
  }
  func.func @transform_2(%arg0: i32) -> (i32, i32) {
    %c0_i32 = arith.constant 0 : i32
    %c0_i32_0 = arith.constant 0 : i32
    %c0_i32_1 = arith.constant 0 : i32
    return %c0_i32, %c0_i32_0 : i32, i32
  }
  func.func @transform_3(%arg0: i32) -> (i32, i32) {
    %c0_i32 = arith.constant 0 : i32
    %c0_i32_0 = arith.constant 0 : i32
    %c0_i32_1 = arith.constant 0 : i32
    return %c0_i32, %c0_i32_0 : i32, i32
  }
  func.func @transform_4(%arg0: i32) -> (i32, i32) {
    %c0_i32 = arith.constant 0 : i32
    %c0_i32_0 = arith.constant 0 : i32
    %c0_i32_1 = arith.constant 0 : i32
    return %c0_i32, %c0_i32_0 : i32, i32
  }
  func.func @transform_5(%arg0: i32) -> (i32, i32) {
    %c0_i32 = arith.constant 0 : i32
    %c0_i32_0 = arith.constant 0 : i32
    return %arg0, %c0_i32 : i32, i32
  }
}

module attributes {stable_mosaic.version = 14 : i64} {
  func.func @_final_body(%arg0: i32, %arg1: memref<2x2000x128xf32, #tpu.memory_space<vmem>>, %arg2: memref<2000x128xf32, #tpu.memory_space<vmem>>, %arg3: memref<1x128xf32, #tpu.memory_space<vmem>>, %arg4: memref<1x128xf32, #tpu.memory_space<vmem>>, %arg5: memref<2000x128xf32, #tpu.memory_space<vmem>>) attributes {dimension_semantics = [#tpu.dimension_semantics<arbitrary>], iteration_bounds = array<i64: 5>, scalar_prefetch = 0 : i64, scratch_operands = 0 : i64, tpu.core_type = #tpu.core_type<tc>, window_params = [{transform_indices = @transform_0, window_bounds = array<i64: 2, 2000, 128>}, {transform_indices = @transform_1, window_bounds = array<i64: 2000, 128>}, {pipeline_mode = #tpu.pipeline_mode<synchronous>, transform_indices = @transform_2, window_bounds = array<i64: 1, 128>}, {pipeline_mode = #tpu.pipeline_mode<synchronous>, transform_indices = @transform_3, window_bounds = array<i64: 1, 128>}, {transform_indices = @transform_4, window_bounds = array<i64: 2000, 128>}]} {
    %get3A = arith.constant 0 : index
    %get3A_0 = arith.constant 0 : index
    %get3A_1 = arith.constant 0 : index
    %get3A_2 = vector.load %arg1[%get3A, %get3A_0, %get3A_1] : memref<2x2000x128xf32, #tpu.memory_space<vmem>>, vector<1x2000x128xf32>
    %get3A_3 = vector.shape_cast %get3A_2 : vector<1x2000x128xf32> to vector<2000x128xf32>
    %get3A_4 = arith.constant 1 : index
    %get3A_5 = arith.constant 0 : index
    %get3A_6 = arith.constant 0 : index
    %get3A_7 = vector.load %arg1[%get3A_4, %get3A_5, %get3A_6] : memref<2x2000x128xf32, #tpu.memory_space<vmem>>, vector<1x2000x128xf32>
    %get3A_8 = vector.shape_cast %get3A_7 : vector<1x2000x128xf32> to vector<2000x128xf32>
    %add3A = arith.addf %get3A_3, %get3A_8 : vector<2000x128xf32>
    %get3A_9 = arith.constant 0 : index
    %get3A_10 = arith.constant 0 : index
    %get3A_11 = vector.load %arg3[%get3A_9, %get3A_10] : memref<1x128xf32, #tpu.memory_space<vmem>>, vector<1x128xf32>
    %get3A_12 = arith.constant 0 : index
    %get3A_13 = arith.constant 0 : index
    %get3A_14 = vector.load %arg2[%get3A_12, %get3A_13] : memref<2000x128xf32, #tpu.memory_space<vmem>>, vector<2000x128xf32>
    %mul3A = arith.mulf %get3A_14, %add3A : vector<2000x128xf32>
    %get3A_15 = arith.constant 0 : index
    %get3A_16 = arith.constant 0 : index
    %get3A_17 = vector.load %arg4[%get3A_15, %get3A_16] : memref<1x128xf32, #tpu.memory_space<vmem>>, vector<1x128xf32>
    %add3A_18 = vector.broadcast %get3A_17 : vector<1x128xf32> to vector<2000x128xf32>
    %add3A_19 = arith.addf %mul3A, %add3A_18 : vector<2000x128xf32>
    %max3A = arith.constant 0.000000e+00 : f32
    %max3A_20 = vector.broadcast %max3A : f32 to vector<2000x128xf32>
    %max3A_21 = arith.maximumf %add3A_19, %max3A_20 : vector<2000x128xf32>
    %mul3A_22 = vector.broadcast %get3A_11 : vector<1x128xf32> to vector<2000x128xf32>
    %mul3A_23 = arith.mulf %mul3A_22, %max3A_21 : vector<2000x128xf32>
    %swap3A = arith.constant 0 : index
    %swap3A_24 = arith.constant 0 : index
    %swap3A_25 = vector.load %arg5[%swap3A, %swap3A_24] : memref<2000x128xf32, #tpu.memory_space<vmem>>, vector<2000x128xf32>
    tpu.vector_store %arg5[%swap3A, %swap3A_24], %mul3A_23 {strides = array<i32>} : memref<2000x128xf32, #tpu.memory_space<vmem>>, vector<2000x128xf32>,
    return
  }
  func.func @transform_0(%arg0: i32) -> (i32, i32, i32) {
    %c0_i32 = arith.constant 0 : i32
    %c0_i32_0 = arith.constant 0 : i32
    %c0_i32_1 = arith.constant 0 : i32
    return %c0_i32, %arg0, %c0_i32_0 : i32, i32, i32
  }
  func.func @transform_1(%arg0: i32) -> (i32, i32) {
    %c0_i32 = arith.constant 0 : i32
    %c0_i32_0 = arith.constant 0 : i32
    return %arg0, %c0_i32 : i32, i32
  }
  func.func @transform_2(%arg0: i32) -> (i32, i32) {
    %c0_i32 = arith.constant 0 : i32
    %c0_i32_0 = arith.constant 0 : i32
    %c0_i32_1 = arith.constant 0 : i32
    return %c0_i32, %c0_i32_0 : i32, i32
  }
  func.func @transform_3(%arg0: i32) -> (i32, i32) {
    %c0_i32 = arith.constant 0 : i32
    %c0_i32_0 = arith.constant 0 : i32
    %c0_i32_1 = arith.constant 0 : i32
    return %c0_i32, %c0_i32_0 : i32, i32
  }
  func.func @transform_4(%arg0: i32) -> (i32, i32) {
    %c0_i32 = arith.constant 0 : i32
    %c0_i32_0 = arith.constant 0 : i32
    return %arg0, %c0_i32 : i32, i32
  }
}

</mosaic_0001>

<sc_bundles>
// kernel: kernel.10.cloned.1.call-start
scs
__scs_entry_jumppad:
0x0: {  	(pc) =	sbr.rel $0x88, $3  }
0x1: {  	(tag) =	ssettag $0x0;
	lr =	simm.s32 $0x1  }
0x2: {  	[smem:$0x3F94] =	sst lr;
	_ =	strace $0xD0000000  }
0x3: {  	_ = 	snop  }
0x4: {  	_ = 	snop  }
0x5: {  	_ = 	snop  }
0x6: {  	_ = 	snop  }
0x7: {  	_ = 	snop  }
__scs_overlays_trampoline_lowered:
0x8: {  	[smem:$0x3FA3] =	sst s0  }
0x9: {  	[smem:$0x3FA4] =	sst s1  }
0xa: {  	[smem:$0x3FA5] =	sst s2  }
0xb: {  	[smem:$0x3FA6] =	sst s3  }
0xc: {  	[smem:$0x3FA7] =	sst s4  }
0xd: {  	[smem:$0x3FA8] =	sst s5  }
0xe: {  	[smem:$0x3FA9] =	sst s6  }
0xf: {  	[smem:$0x3FAA] =	sst s7  }
0x10: {  	[smem:$0x3FAB] =	sst s8  }
0x11: {  	[smem:$0x3FAC] =	sst s9;
	s0 =	simm.s32 @!p0 $0x0  }
0x12: {  	s1 =	sld [smem:$0x3F92];
	s0 =	simm.s32 @p0 $0x1  }
0x13: {  	[smem:$0x3FAD] =	sst s0;
	s0 =	simm.s32 @!p1 $0x0  }
0x14: {  	s2 =	sld [smem:$0x3F91];
	s0 =	simm.s32 @p1 $0x1  }
0x15: {  	[smem:$0x3FAE] =	sst s0;
	s0 =	simm.s32 @!p2 $0x0  }
0x16: {  	s3 =	sld [smem:$0x3FDB];
	s0 =	simm.s32 @p2 $0x1  }
0x17: {  	s4 =	simm.s32 $0x1BF5;
	[smem:$0x3FB0] =	sst s0  }
0x18: {  	s0 =	sld [smem:$0x3F93];
	_ =	swait.ge [sflag:s4], $0x0  }
0x19: {  	s7 =	sld [smem:$0x3F94]  }
0x1a: {  	s8 =	sadd.s32 $0xFFFFE003, lr  }
0x1b: {  	s9 =	sadd.s32 $0xFFFFFEF7, lr;
	s5 =	simm.s32 $0xFFFFFFFF;
	p2 =	slt.u32 s8, $0xFFFFF086  }
0x1c: {  	p1 =	slt.u32 s9, $0xF7A;
	s5 =	simm.s32 @!p2 $0x0  }
0x1d: {  	s5 =	simm.s32 @p1 $0x1;
	p0 =	seq.s32 s7, s2  }
0x1e: {  	s7 =	smul.u32 @!p0 $0xF7A, s2;
	p2 =	seq.s32 @!p0 s5, $0x0  }
0x1f: {  	s9 =	smul.u32 $0xF7A, s1;
	s8 =	simm.s32 @!p0 $0x1BF5;
	p2 =	por !p2, p0  }
0x20: {  	[sflag:s8] =	ssyncset.s32 @!p0 $0xFFFFF086;
	s6 =	sadd.s32 @!p0 s3, s7;
	s7 =	simm.s32 @!p0 $0x108  }
0x21: {  	s3 =	sadd.s32 s3, s9;
	s6 =	sadd.s32 @!p0 $0x88, s6;
	s7 =	simm.s32 @p2 $0x1082  }
0x22: {  	[simem:s7], [sflag:s8] =	dma.local @!p0 [hbm:s6], $0xF7A  }
0x23: {  	s9 =	sor.u32 $0xD0000000, s2;
	s6 =	simm.s32 $0x108;
	_ =	swait.ge @!p0 [sflag:s8], $0x0  }
0x24: {  	s3 =	sadd.s32 $0x88, s3;
	s6 =	simm.s32 @!p1 $0x1082;
	[sflag:s4] =	ssyncset.s32 $0xFFFFF086  }
0x25: {  	[simem:s6], [sflag:s4] =	dma.local [hbm:s3], $0xF7A  }
0x26: {  	[smem:$0x3F94] =	sst s1;
	(tag) =	ssettag s2;
	_ =	strace s9  }
0x27: {  	s1 =	sld [smem:$0x3FA4]  }
0x28: {  	s2 =	sld [smem:$0x3FA5]  }
0x29: {  	s4 =	sld [smem:$0x3FA7]  }
0x2a: {  	p0 =	seq.s32 s5, $0x0;
	s5 =	sld [smem:$0x3FA8]  }
0x2b: {  	s6 =	sld [smem:$0x3FA9]  }
0x2c: {  	s7 =	sld [smem:$0x3FAA]  }
0x2d: {  	s3 =	simm.s32 $0x108;
	s8 =	sld [smem:$0x3FAB]  }
0x2e: {  	s3 =	simm.s32 @!p0 $0x1082;
	s9 =	sld [smem:$0x3FAC]  }
0x2f: {  	lr =	sadd.s32 s0, s3;
	s0 =	sld [smem:$0x3FA3]  }
0x30: {  	s3 =	sld [smem:$0x3FA6]  }
0x31: {  	[smem:$0x3FAF] =	sst s10  }
0x32: {  	s10 =	sld [smem:$0x3FAD];
	_ =	sdelay $0x3  }
0x33: {  	p0 =	seq.s32 s10, $0x1;
	s10 =	sld [smem:$0x3FAF];
	_ =	sdelay $0x3  }
0x34: {  	[smem:$0x3FAF] =	sst s10  }
0x35: {  	s10 =	sld [smem:$0x3FAE];
	_ =	sdelay $0x3  }
0x36: {  	p1 =	seq.s32 s10, $0x1;
	s10 =	sld [smem:$0x3FAF];
	_ =	sdelay $0x3  }
0x37: {  	[smem:$0x3FAF] =	sst s10  }
0x38: {  	s10 =	sld [smem:$0x3FB0]  }
0x39: {  	_ = 	snop;
	(pc) =	sbr.ind lr, $3  }
0x3a: {  	_ = 	snop  }
0x3b: {  	_ = 	snop  }
0x3c: {  	p2 =	seq.s32 s10, $0x1;
	s10 =	sld [smem:$0x3FAF]  }
0x3d: {  	_ =	shalt  }
0x3e: {  	_ =	shalt  }
0x3f: {  	_ =	shalt  }
0x40: {  	_ =	shalt  }
0x41: {  	_ =	shalt  }
0x42: {  	_ =	shalt  }
0x43: {  	_ =	shalt  }
0x44: {  	_ =	shalt  }
0x45: {  	_ =	shalt  }
0x46: {  	_ =	shalt  }
0x47: {  	_ =	shalt  }
0x48: {  	_ =	shalt  }
0x49: {  	_ =	shalt  }
0x4a: {  	_ =	shalt  }
0x4b: {  	_ =	shalt  }
0x4c: {  	_ =	shalt  }
0x4d: {  	_ =	shalt  }
0x4e: {  	_ =	shalt  }
0x4f: {  	_ =	shalt  }
0x50: {  	_ =	shalt  }
0x51: {  	_ =	shalt  }
0x52: {  	_ =	shalt  }
0x53: {  	_ =	shalt  }
0x54: {  	_ =	shalt  }
0x55: {  	_ =	shalt  }
0x56: {  	_ =	shalt  }
0x57: {  	_ =	shalt  }
0x58: {  	_ =	shalt  }
0x59: {  	_ =	shalt  }
0x5a: {  	_ =	shalt  }
0x5b: {  	_ =	shalt  }
0x5c: {  	_ =	shalt  }
0x5d: {  	_ =	shalt  }
0x5e: {  	_ =	shalt  }
0x5f: {  	_ =	shalt  }
0x60: {  	_ =	shalt  }
0x61: {  	_ =	shalt  }
0x62: {  	_ =	shalt  }
0x63: {  	_ =	shalt  }
0x64: {  	_ =	shalt  }
0x65: {  	_ =	shalt  }
0x66: {  	_ =	shalt  }
0x67: {  	_ =	shalt  }
0x68: {  	_ =	shalt  }
0x69: {  	_ =	shalt  }
0x6a: {  	_ =	shalt  }
0x6b: {  	_ =	shalt  }
0x6c: {  	_ =	shalt  }
0x6d: {  	_ =	shalt  }
0x6e: {  	_ =	shalt  }
0x6f: {  	_ =	shalt  }
0x70: {  	_ =	shalt  }
0x71: {  	_ =	shalt  }
0x72: {  	_ =	shalt  }
0x73: {  	_ =	shalt  }
0x74: {  	_ =	shalt  }
0x75: {  	_ =	shalt  }
0x76: {  	_ =	shalt  }
0x77: {  	_ =	shalt  }
0x78: {  	_ =	shalt  }
0x79: {  	_ =	shalt  }
0x7a: {  	_ =	shalt  }
0x7b: {  	_ =	shalt  }
0x7c: {  	_ =	shalt  }
0x7d: {  	_ =	shalt  }
0x7e: {  	_ =	shalt  }
0x7f: {  	_ =	shalt  }
0x80: {  	_ =	shalt  }
0x81: {  	_ =	shalt  }
0x82: {  	_ =	shalt  }
0x83: {  	_ =	shalt  }
0x84: {  	_ =	shalt  }
0x85: {  	_ =	shalt  }
0x86: {  	_ =	shalt  }
0x87: {  	_ =	shalt  }
.Lfunc_end0:
.L_simem_size_0:
called_computation_lowered:
.L_overlay_start_0:
0x88: {  	s2 =	sld [smem:$0x3FD9]  }
0x89: {  	s3 =	sld [smem:$0x3FFE];
	_ =	sdelay $0x1  }
0x8a: {  	s1 =	srdreg.scid  }
0x8b: {  	s0 =	sand.u32 $0x1, s1  }
0x8c: {  	s16 =	sshll.u32 s0, $0xA;
	s2 =	sadd.s32 s3, s2  }
0x8d: {  	s2 =	sadd.s32 s2, s16  }
0x8e: {  	[smem:$0x3FBB] =	sst s2  }
0x8f: {  	_ = 	snop  }
0x90: {  	(tm) =	ssettm $0x1  }
0x91: {  	s17 =	sld [smem:$0x3FFB];
	_ =	sdelay $0x3  }
0x92: {  	_ =	strace s17  }
0x93: {  	s2 =	sld [smem:$0x3FFC];
	_ =	sdelay $0x3  }
0x94: {  	_ =	strace s2  }
0x95: {  	s2 =	sld [smem:$0x3FFD];
	_ =	sdelay $0x3  }
0x96: {  	_ =	strace s2  }
0x97: {  	_ =	strace $0x8FFFFFFF  }
0x98: {  	s18 =	sld [smem:$0x3FDB];
	_ =	sdelay $0x1  }
0x99: {  	s19 =	simm.s32 $_scs_section_size  }
0x9a: {  	s4 =	simm.s32 $_size__tile_overlayer_lowered;
	s5 =	simm.s32 $_tile_overlayer_lowered  }
0x9b: {  	s22 =	simm.s32 $0x1BFF;
	s21 =	sshll.u32 s5, $0x1;
	s2 =	sadd.s32 s19, s18  }
0x9c: {  	s6 =	simm.s32 $0x0;
	s20 =	sshll.u32 s4, $0x1;
	s4 =	sadd.s32 s21, s2  }
0x9d: {  	[timem:s6], [sflag:s22] =	dma.local [hbm:s4], s20  }
0x9e: {  	_ =	swait.ge [sflag:s22], s20  }
0x9f: {  	s3 =	ssub.s32 $0x0, s20;
	[sflag:s22] =	ssyncset.done $0x0  }
0xa0: {  	[sflag:s22] =	ssyncadd.s32 s3;
	_ =	sdelay $0x1  }
0xa1: {  	s23 =	simm.s32 $0x1B8B  }
0xa2: {  	_ =	swait.ge [sflag:s23], $0x1  }
0xa3: {  	[sflag:s23] =	ssyncset.done $0x0  }
0xa4: {  	s25 =	simm.s32 $0x1B8E;
	s24 =	sld [smem:$0x3FFE];
	[sflag:s23] =	ssyncadd.s32 $0xFFFFFFFF  }
0xa5: {  	s26 =	simm.s32 $execute0_lowered;
	[smem:$0x3FD2] =	sst s25  }
0xa6: {  	s4 =	sshll.u32 s26, $0x1;
	_ =	strace $0x80000046;
	[dreg:$0x1] =	wrdreg $0xFFFFFFFF  }
0xa7: {  	s28 =	simm.s32 $_size_execute0_lowered;
	s2 =	sadd.s32 s2, s4;
	[dreg:$0x0] =	wrdreg $0x0  }
0xa8: {  	s4 =	sshll.u32 s28, $0x1;
	[dreg:$0x2] =	wrdreg s2  }
0xa9: {  	[dreg:$0x3] =	wrdreg s4  }
0xaa: {  	[dreg:$0x4] =	wrdreg $0xC0  }
0xab: {  	_ =	task [dreg:s6], $0x5FFFF  }
0xac: {  	[dreg:$0x1] =	wrdreg $0xFFFFFFFF  }
0xad: {  	[dreg:$0x0] =	wrdreg $0x60  }
0xae: {  	[dreg:$0x2] =	wrdreg s24  }
0xaf: {  	[dreg:$0x3] =	wrdreg $0x28800  }
0xb0: {  	[dreg:$0x4] =	wrdreg $0x9  }
0xb1: {  	_ =	task.clear_ibuf [dreg:s6], $0x5FFFF;
	_ =	strace $0x90000046  }
0xb2: {  	s29 =	simm.s32 $0x9;
	_ =	strace $0x80000048  }
0xb3: {  	_ =	swait.ge [sflag:s29], $0x1  }
0xb4: {  	[sflag:s29] =	ssyncadd.s32 $0xFFFFFFFF  }
0xb5: {  	_ =	strace $0x90000048  }
0xb6: {  	_ =	sfence  }
0xb7: {  	s30 =	sld [smem:$0x0];
	_ =	sdelay $0x2  }
0xb8: {  	s31 =	sshll.u32 s1, $0xD;
	s1 =	sshrl.u32 s1, $0x2  }
0xb9: {  	s3 =	sand.u32 $0x4000, s31;
	s1 =	sadd.s32 s1, s30  }
0xba: {  	s0 =	sor.u32 s3, s0;
	s1 =	sshll.u32 s1, $0x11  }
0xbb: {  	s0 =	sor.u32 s1, s0  }
0xbc: {  	s0 =	sadd.s32 $0x8F2B, s0  }
0xbd: {  	[sflag:s0] =	ssyncadd.remote.s32 $0x1  }
0xbe: {  	_ =	sfence.sel $0xFFFF  }
0xbf: {  	[dreg:$0x0] =	wrdreg $0xFFFFFFFF;
	(pc) =	sbr.abs _section_cstart, $3  }
0xc0: {  	[dreg:$0x1] =	wrdreg $0xFFFFFFFF  }
0xc1: {  	_ =	task.clear_ibuf [dreg:s6], $0x2FFFF;
	_ =	strace $0x9FFFFFFF  }
0xc2: {  	(tm) =	ssettm $0x7FFFFFFF  }
0xc3: {  	_ =	shalt  }
tec
execute0_lowered:
.L_overlay_start_1:
0x0: {  	(tag) =	ssettag $0x1  }
0x1: {  	s7 =	rddreg [dreg:$0x0]  }
0x2: {  	s0 =	srdreg.scid;
	s2 =	rddreg [dreg:$0x1]  }
0x3: {  	s1 =	stileid.u32;
	s3 =	simm.s32 $0x0;
	s13 =	simm.s32 $0x80  }
0x4: {  	s14 =	simm.s32 $0x1;
	s6 =	sand.u32 $0x1, s0;
	s0 =	rddreg [dreg:$0x2]  }
0x5: {  	s15 =	simm.s32 $0x0;
	[smem:$0x7FF] =	sst s3;
	s5 =	sadd.s32 $0xDC00, s7  }
0x6: {  	s11 =	smul.u32 $0x280, s1;
	s31 =	sshll.u32 s1, $0x6;
	s4 =	sshll.u32 s6, $0x4  }
0x7: {  	_ =	strace $0x80000047;
	s9 =	ssub.s32 $0x2, s6;
	p0 =	seq.s32 s6, $0x1  }
0x8: {  	s6 =	sor.u32 $0x1C02, s31;
	s4 =	sor.u32 s1, s4;
	s10 =	sshrl.u32 s9, $0x1  }
0x9: {  	s4 =	smul.u32 $0x500, s4;
	s9 =	ssub.s32 s9, s10;
	s10 =	simm.s32 $0xDE00  }
0xa: {  	s12 =	sadd.s32 s11, s2;
	s11 =	sshrl.u32 s11, $0x3;
	s10 =	simm.s32 @!p0 $0xE400  }
0xb: {  	s8 =	sadd.s32 s4, s7;
	s4 =	sadd.s32 $0xDA00, s7;
	s10 =	sadd.s32 s10, s7  }
0xc: {  	s7 =	sadd.s32 $0x3A00, s8;
	s8 =	smax.u32 s9, $0x1;
	s9 =	sadd.s32 s10, s11  }
0xd: {  	s10 =	sshrl.u32 s12, $0x3;
	s11 =	simm.s32 $0x2;
	s12 =	simm.s32 $0x2800  }
.LBB2_1:
0xe: {  	[spmem:s10], [sflag:s6] =	dma.local [hbm:s5], $0x50  }
0xf: {  	_ =	swait.ge [sflag:s11], $0x50  }
0x10: {  	[sflag:s11] =	ssyncset.done $0x0  }
0x11: {  	[sflag:s11] =	ssyncadd.s32 $0xFFFFFFB0  }
0x12: {  	[tilespmem:s12], [sflag:$0x2] =	stream.linear.gather [hbm4b:s4+s3], $0x80, $0x38;
	[tilespmem:$0x2B00] =	vst v63  }
0x13: {  	_ =	swait.ge [sflag:s11], $0x80  }
0x14: {  	[sflag:s11] =	ssyncset.done $0x0  }
0x15: {  	[sflag:s11] =	ssyncadd.s32 $0xFFFFFF80  }
0x16: {  	[tilespmem:s3], [sflag:$0x2] =	stream.linear.gather [hbm4b:s7+s3], $0x2800, $0x38;
	[tilespmem:$0x2B00] =	vst v63  }
0x17: {  	_ =	swait.ge [sflag:s11], $0x2800  }
0x18: {  	[sflag:s11] =	ssyncset.done $0x0  }
0x19: {  	[sflag:s11] =	ssyncadd.s32 $0xFFFFD800  }
0x1a: {  	s16 =	simm.s32 $0x0;
	[bflag:$0x0] =	sbarrier.arrive $0xFFFF  }
.LBB2_2:
0x1b: {  	p0 =	sne.s32 s16, $0x9E00  }
.Ltmp0:
0x1c: {  	_ = 	snop;
	(pc) =	sbr.rel @p0 .LBB2_2-.Ltmp0, $3  }
0x1d: {  	_ =	sdelay $0x1  }
0x1e: {  	s17 =	sshra.s32 s16, $0x2;
	s16 =	sadd.s32 $0x200, s16  }
0x1f: {  	[spmem:s2] =	stream.indirect.scatter.add.f32 [tilespmem:s12], [sflag:$0x1], $0x1, s17, s13, $0xb8;
	[tilespmem:$0x2B00] =	vst v63  }
0x20: {  	_ =	swait.ge [sflag:s14], $0x80  }
0x21: {  	s16 =	simm.s32 $0x4F;
	[sflag:s14] =	ssyncset.done $0x0  }
.LBB2_4:
0x22: {  	p0 =	sne.s32 s16, $0x1;
	s16 =	sadd.s32 $0xFFFFFFFF, s16;
	[sflag:s14] =	ssyncadd.s32 $0xFFFFFF80  }
.Ltmp1:
0x23: {  	(pc) =	sbr.rel @p0 .LBB2_4-.Ltmp1, $3  }
0x24: {  	_ =	sdelay $0x1  }
0x25: {  	_ =	swait.ge [sflag:s14], $0x80  }
0x26: {  	[sflag:s14] =	ssyncset.done $0x0  }
0x27: {  	s15 =	sadd.s32 $0x1, s15  }
0x28: {  	[sflag:s14] =	ssyncadd.s32 $0xFFFFFF80;
	p0 =	sne.s32 s15, s8  }
.Ltmp2:
0x29: {  	[bflag:$0x0] =	sbarrier.arrive $0xFFFF;
	(pc) =	sbr.rel @p0 .LBB2_1-.Ltmp2, $4  }
0x2a: {  	[hbm:s9], [sflag:s6] =	dma.local [spmem:s10], $0x50  }
0x2b: {  	_ =	swait.ge [sflag:s11], $0x50  }
0x2c: {  	[sflag:s11] =	ssyncset.done $0x0  }
0x2d: {  	[sflag:s11] =	ssyncadd.s32 $0xFFFFFFB0  }
0x2e: {  	_ =	sfence.sel $0x180000  }
0x2f: {  	[bflag:$0x0] =	sbarrier.arrive $0xFFFF  }
0x30: {  	p0 =	sne.s32 s1, $0x0;
	_ =	strace $0x90000047  }
0x31: {  	s0 =	sadd.s32 @!p0 $0x100000, s0;
	[bflag:$0x2] =	sbarrier.arrive $0xFFFF  }
0x32: {  	[sflag:s0] =	ssyncadd.tile.s32 @!p0 $0x1;
	_ =	shalt  }
.Lfunc_end2:
_tile_overlayer_lowered:
.L_overlay_start_2:
0x33: {  	(tag) =	ssettag $0x2  }
0x34: {  	s0 =	rddreg [dreg:$0x0];
	s2 =	stileid.u32  }
0x35: {  	s1 =	rddreg [dreg:$0x1];
	p0 =	sne.s32 s2, $0x0  }
0x36: {  	s3 =	rddreg [dreg:$0x2];
	[bflag:$0x3] =	sbarrier.arrive $0xFFFF;
	s2 =	simm.s32 @!p0 $0x1C02  }
0x37: {  	[timem:s3], [sflag:s2] =	dma.local @!p0 [hbm:s0], s1  }
0x38: {  	s0 =	simm.s32 @!p0 $0x2  }
0x39: {  	_ =	swait.ge @!p0 [sflag:s0], s1  }
0x3a: {  	s1 =	ssub.s32 @!p0 $0x0, s1;
	[sflag:s0] =	ssyncset.done @!p0 $0x0  }
0x3b: {  	[sflag:s0] =	ssyncadd.s32 @!p0 s1  }
0x3c: {  	[bflag:$0x3] =	sbarrier.arrive $0xFFFF  }
0x3d: {  	_ =	shalt  }

// kernel: kernel.13.cloned.1.call-start
scs
__scs_entry_jumppad:
0x0: {  	(pc) =	sbr.rel $0x88, $3  }
0x1: {  	(tag) =	ssettag $0x0;
	lr =	simm.s32 $0x1  }
0x2: {  	[smem:$0x3F94] =	sst lr;
	_ =	strace $0xD0000000  }
0x3: {  	_ = 	snop  }
0x4: {  	_ = 	snop  }
0x5: {  	_ = 	snop  }
0x6: {  	_ = 	snop  }
0x7: {  	_ = 	snop  }
__scs_overlays_trampoline_lowered:
0x8: {  	[smem:$0x3FA3] =	sst s0  }
0x9: {  	[smem:$0x3FA4] =	sst s1  }
0xa: {  	[smem:$0x3FA5] =	sst s2  }
0xb: {  	[smem:$0x3FA6] =	sst s3  }
0xc: {  	[smem:$0x3FA7] =	sst s4  }
0xd: {  	[smem:$0x3FA8] =	sst s5  }
0xe: {  	[smem:$0x3FA9] =	sst s6  }
0xf: {  	[smem:$0x3FAA] =	sst s7  }
0x10: {  	[smem:$0x3FAB] =	sst s8  }
0x11: {  	[smem:$0x3FAC] =	sst s9;
	s0 =	simm.s32 @!p0 $0x0  }
0x12: {  	s1 =	sld [smem:$0x3F92];
	s0 =	simm.s32 @p0 $0x1  }
0x13: {  	[smem:$0x3FAD] =	sst s0;
	s0 =	simm.s32 @!p1 $0x0  }
0x14: {  	s2 =	sld [smem:$0x3F91];
	s0 =	simm.s32 @p1 $0x1  }
0x15: {  	[smem:$0x3FAE] =	sst s0;
	s0 =	simm.s32 @!p2 $0x0  }
0x16: {  	s3 =	sld [smem:$0x3FDB];
	s0 =	simm.s32 @p2 $0x1  }
0x17: {  	s4 =	simm.s32 $0x1BF5;
	[smem:$0x3FB0] =	sst s0  }
0x18: {  	s0 =	sld [smem:$0x3F93];
	_ =	swait.ge [sflag:s4], $0x0  }
0x19: {  	s7 =	sld [smem:$0x3F94]  }
0x1a: {  	s8 =	sadd.s32 $0xFFFFE003, lr  }
0x1b: {  	s9 =	sadd.s32 $0xFFFFFEF7, lr;
	s5 =	simm.s32 $0xFFFFFFFF;
	p2 =	slt.u32 s8, $0xFFFFF086  }
0x1c: {  	p1 =	slt.u32 s9, $0xF7A;
	s5 =	simm.s32 @!p2 $0x0  }
0x1d: {  	s5 =	simm.s32 @p1 $0x1;
	p0 =	seq.s32 s7, s2  }
0x1e: {  	s7 =	smul.u32 @!p0 $0xF7A, s2;
	p2 =	seq.s32 @!p0 s5, $0x0  }
0x1f: {  	s9 =	smul.u32 $0xF7A, s1;
	s8 =	simm.s32 @!p0 $0x1BF5;
	p2 =	por !p2, p0  }
0x20: {  	[sflag:s8] =	ssyncset.s32 @!p0 $0xFFFFF086;
	s6 =	sadd.s32 @!p0 s3, s7;
	s7 =	simm.s32 @!p0 $0x108  }
0x21: {  	s3 =	sadd.s32 s3, s9;
	s6 =	sadd.s32 @!p0 $0x88, s6;
	s7 =	simm.s32 @p2 $0x1082  }
0x22: {  	[simem:s7], [sflag:s8] =	dma.local @!p0 [hbm:s6], $0xF7A  }
0x23: {  	s9 =	sor.u32 $0xD0000000, s2;
	s6 =	simm.s32 $0x108;
	_ =	swait.ge @!p0 [sflag:s8], $0x0  }
0x24: {  	s3 =	sadd.s32 $0x88, s3;
	s6 =	simm.s32 @!p1 $0x1082;
	[sflag:s4] =	ssyncset.s32 $0xFFFFF086  }
0x25: {  	[simem:s6], [sflag:s4] =	dma.local [hbm:s3], $0xF7A  }
0x26: {  	[smem:$0x3F94] =	sst s1;
	(tag) =	ssettag s2;
	_ =	strace s9  }
0x27: {  	s1 =	sld [smem:$0x3FA4]  }
0x28: {  	s2 =	sld [smem:$0x3FA5]  }
0x29: {  	s4 =	sld [smem:$0x3FA7]  }
0x2a: {  	p0 =	seq.s32 s5, $0x0;
	s5 =	sld [smem:$0x3FA8]  }
0x2b: {  	s6 =	sld [smem:$0x3FA9]  }
0x2c: {  	s7 =	sld [smem:$0x3FAA]  }
0x2d: {  	s3 =	simm.s32 $0x108;
	s8 =	sld [smem:$0x3FAB]  }
0x2e: {  	s3 =	simm.s32 @!p0 $0x1082;
	s9 =	sld [smem:$0x3FAC]  }
0x2f: {  	lr =	sadd.s32 s0, s3;
	s0 =	sld [smem:$0x3FA3]  }
0x30: {  	s3 =	sld [smem:$0x3FA6]  }
0x31: {  	[smem:$0x3FAF] =	sst s10  }
0x32: {  	s10 =	sld [smem:$0x3FAD];
	_ =	sdelay $0x3  }
0x33: {  	p0 =	seq.s32 s10, $0x1;
	s10 =	sld [smem:$0x3FAF];
	_ =	sdelay $0x3  }
0x34: {  	[smem:$0x3FAF] =	sst s10  }
0x35: {  	s10 =	sld [smem:$0x3FAE];
	_ =	sdelay $0x3  }
0x36: {  	p1 =	seq.s32 s10, $0x1;
	s10 =	sld [smem:$0x3FAF];
	_ =	sdelay $0x3  }
0x37: {  	[smem:$0x3FAF] =	sst s10  }
0x38: {  	s10 =	sld [smem:$0x3FB0]  }
0x39: {  	_ = 	snop;
	(pc) =	sbr.ind lr, $3  }
0x3a: {  	_ = 	snop  }
0x3b: {  	_ = 	snop  }
0x3c: {  	p2 =	seq.s32 s10, $0x1;
	s10 =	sld [smem:$0x3FAF]  }
0x3d: {  	_ =	shalt  }
0x3e: {  	_ =	shalt  }
0x3f: {  	_ =	shalt  }
0x40: {  	_ =	shalt  }
0x41: {  	_ =	shalt  }
0x42: {  	_ =	shalt  }
0x43: {  	_ =	shalt  }
0x44: {  	_ =	shalt  }
0x45: {  	_ =	shalt  }
0x46: {  	_ =	shalt  }
0x47: {  	_ =	shalt  }
0x48: {  	_ =	shalt  }
0x49: {  	_ =	shalt  }
0x4a: {  	_ =	shalt  }
0x4b: {  	_ =	shalt  }
0x4c: {  	_ =	shalt  }
0x4d: {  	_ =	shalt  }
0x4e: {  	_ =	shalt  }
0x4f: {  	_ =	shalt  }
0x50: {  	_ =	shalt  }
0x51: {  	_ =	shalt  }
0x52: {  	_ =	shalt  }
0x53: {  	_ =	shalt  }
0x54: {  	_ =	shalt  }
0x55: {  	_ =	shalt  }
0x56: {  	_ =	shalt  }
0x57: {  	_ =	shalt  }
0x58: {  	_ =	shalt  }
0x59: {  	_ =	shalt  }
0x5a: {  	_ =	shalt  }
0x5b: {  	_ =	shalt  }
0x5c: {  	_ =	shalt  }
0x5d: {  	_ =	shalt  }
0x5e: {  	_ =	shalt  }
0x5f: {  	_ =	shalt  }
0x60: {  	_ =	shalt  }
0x61: {  	_ =	shalt  }
0x62: {  	_ =	shalt  }
0x63: {  	_ =	shalt  }
0x64: {  	_ =	shalt  }
0x65: {  	_ =	shalt  }
0x66: {  	_ =	shalt  }
0x67: {  	_ =	shalt  }
0x68: {  	_ =	shalt  }
0x69: {  	_ =	shalt  }
0x6a: {  	_ =	shalt  }
0x6b: {  	_ =	shalt  }
0x6c: {  	_ =	shalt  }
0x6d: {  	_ =	shalt  }
0x6e: {  	_ =	shalt  }
0x6f: {  	_ =	shalt  }
0x70: {  	_ =	shalt  }
0x71: {  	_ =	shalt  }
0x72: {  	_ =	shalt  }
0x73: {  	_ =	shalt  }
0x74: {  	_ =	shalt  }
0x75: {  	_ =	shalt  }
0x76: {  	_ =	shalt  }
0x77: {  	_ =	shalt  }
0x78: {  	_ =	shalt  }
0x79: {  	_ =	shalt  }
0x7a: {  	_ =	shalt  }
0x7b: {  	_ =	shalt  }
0x7c: {  	_ =	shalt  }
0x7d: {  	_ =	shalt  }
0x7e: {  	_ =	shalt  }
0x7f: {  	_ =	shalt  }
0x80: {  	_ =	shalt  }
0x81: {  	_ =	shalt  }
0x82: {  	_ =	shalt  }
0x83: {  	_ =	shalt  }
0x84: {  	_ =	shalt  }
0x85: {  	_ =	shalt  }
0x86: {  	_ =	shalt  }
0x87: {  	_ =	shalt  }
.Lfunc_end0:
.L_simem_size_0:
called_computation.1_lowered:
.L_overlay_start_0:
0x88: {  	s2 =	sld [smem:$0x3FD9]  }
0x89: {  	s3 =	sld [smem:$0x3FFE];
	_ =	sdelay $0x1  }
0x8a: {  	s1 =	srdreg.scid  }
0x8b: {  	s0 =	sand.u32 $0x1, s1  }
0x8c: {  	s17 =	sshll.u32 s0, $0xA;
	s2 =	sadd.s32 s3, s2  }
0x8d: {  	s2 =	sadd.s32 s2, s17  }
0x8e: {  	[smem:$0x3FBB] =	sst s2  }
0x8f: {  	_ = 	snop  }
0x90: {  	s2 =	sld [smem:$0x3FD0];
	(tm) =	ssettm $0x1  }
0x91: {  	s18 =	sld [smem:$0x3FFB];
	_ =	sdelay $0x3  }
0x92: {  	_ =	strace s18  }
0x93: {  	s3 =	sld [smem:$0x3FFC];
	_ =	sdelay $0x3  }
0x94: {  	_ =	strace s3  }
0x95: {  	s3 =	sld [smem:$0x3FFD];
	_ =	sdelay $0x3  }
0x96: {  	_ =	strace s3  }
0x97: {  	_ =	strace $0x8FFFFFFF  }
0x98: {  	s19 =	sld [smem:$0x3FDB];
	_ =	sdelay $0x1  }
0x99: {  	s4 =	simm.s32 $_scs_section_size  }
0x9a: {  	s5 =	simm.s32 $_size__tile_overlayer_lowered;
	s6 =	simm.s32 $_tile_overlayer_lowered  }
0x9b: {  	s22 =	simm.s32 $0x1BFF;
	s21 =	sshll.u32 s6, $0x1;
	s3 =	sadd.s32 s4, s19  }
0x9c: {  	s7 =	simm.s32 $0x0;
	s20 =	sshll.u32 s5, $0x1;
	s5 =	sadd.s32 s21, s3  }
0x9d: {  	[timem:s7], [sflag:s22] =	dma.local [hbm:s5], s20  }
0x9e: {  	_ =	swait.ge [sflag:s22], s20  }
0x9f: {  	s4 =	ssub.s32 $0x0, s20;
	[sflag:s22] =	ssyncset.done $0x0  }
0xa0: {  	[sflag:s22] =	ssyncadd.s32 s4;
	_ =	sdelay $0x1  }
0xa1: {  	s23 =	simm.s32 $0x1B8B  }
0xa2: {  	_ =	swait.ge [sflag:s23], $0x1  }
0xa3: {  	[sflag:s23] =	ssyncset.done $0x0  }
0xa4: {  	s25 =	simm.s32 $0x1B8E;
	s24 =	sld [smem:$0x3FFE];
	[sflag:s23] =	ssyncadd.s32 $0xFFFFFFFF  }
0xa5: {  	s26 =	simm.s32 $execute0_lowered;
	[smem:$0x3FD2] =	sst s25  }
0xa6: {  	s5 =	sshll.u32 s26, $0x1;
	_ =	strace $0x80000049;
	[dreg:$0x1] =	wrdreg $0xFFFFFFFF  }
0xa7: {  	s28 =	simm.s32 $_size_execute0_lowered;
	s3 =	sadd.s32 s3, s5;
	[dreg:$0x0] =	wrdreg $0x0  }
0xa8: {  	s5 =	sshll.u32 s28, $0x1;
	[dreg:$0x2] =	wrdreg s3  }
0xa9: {  	[dreg:$0x3] =	wrdreg s5  }
0xaa: {  	[dreg:$0x4] =	wrdreg $0xC0  }
0xab: {  	_ =	task [dreg:s7], $0x5FFFF  }
0xac: {  	[dreg:$0x1] =	wrdreg $0xFFFFFFFF  }
0xad: {  	[dreg:$0x0] =	wrdreg $0x60  }
0xae: {  	[dreg:$0x2] =	wrdreg s24  }
0xaf: {  	[dreg:$0x3] =	wrdreg s2  }
0xb0: {  	[dreg:$0x4] =	wrdreg $0xA9000  }
0xb1: {  	[dreg:$0x5] =	wrdreg $0x9  }
0xb2: {  	_ =	task.clear_ibuf [dreg:s7], $0x6FFFF;
	_ =	strace $0x90000049  }
0xb3: {  	s29 =	simm.s32 $0x9;
	_ =	strace $0x8000004B  }
0xb4: {  	_ =	swait.ge [sflag:s29], $0x1  }
0xb5: {  	[sflag:s29] =	ssyncadd.s32 $0xFFFFFFFF  }
0xb6: {  	_ =	strace $0x9000004B  }
0xb7: {  	_ =	sfence  }
0xb8: {  	s30 =	sld [smem:$0x0];
	_ =	sdelay $0x2  }
0xb9: {  	s31 =	sshll.u32 s1, $0xD;
	s1 =	sshrl.u32 s1, $0x2  }
0xba: {  	s3 =	sand.u32 $0x4000, s31;
	s1 =	sadd.s32 s1, s30  }
0xbb: {  	s0 =	sor.u32 s3, s0;
	s1 =	sshll.u32 s1, $0x11  }
0xbc: {  	s0 =	sor.u32 s1, s0  }
0xbd: {  	s0 =	sadd.s32 $0x8F2B, s0  }
0xbe: {  	[sflag:s0] =	ssyncadd.remote.s32 $0x1  }
0xbf: {  	_ =	sfence.sel $0xFFFF  }
0xc0: {  	[dreg:$0x0] =	wrdreg $0xFFFFFFFF;
	(pc) =	sbr.abs _section_cstart, $3  }
0xc1: {  	[dreg:$0x1] =	wrdreg $0xFFFFFFFF  }
0xc2: {  	_ =	task.clear_ibuf [dreg:s7], $0x2FFFF;
	_ =	strace $0x9FFFFFFF  }
0xc3: {  	(tm) =	ssettm $0x7FFFFFFF  }
tec
execute0_lowered:
.L_overlay_start_1:
0x0: {  	(tag) =	ssettag $0x1  }
0x1: {  	s5 =	rddreg [dreg:$0x0]  }
0x2: {  	s6 =	rddreg [dreg:$0x1]  }
0x3: {  	s1 =	rddreg [dreg:$0x2];
	s2 =	srdreg.scid  }
0x4: {  	s3 =	simm.s32 $0x0;
	s18 =	simm.s32 $0x2800;
	s7 =	sand.u32 $0x1, s2  }
0x5: {  	s19 =	simm.s32 $0x6900;
	s2 =	stileid.u32;
	s8 =	smul.u32 $0x13C000, s7  }
0x6: {  	s20 =	simm.s32 $0x2880;
	s21 =	simm.s32 $0x1;
	s9 =	smul.u32 $0x13C00, s2  }
0x7: {  	[smem:$0x7FF] =	sst s3;
	s12 =	sadd.s32 $0x3A00, s5;
	s22 =	smul.u32 $0x4F000, s2  }
0x8: {  	s13 =	sadd.s32 $0x35200, s5;
	s4 =	sshll.u32 s7, $0x4;
	s15 =	smul.u32 $0x2780, s2  }
0x9: {  	_ =	strace $0x8000004A;
	s14 =	ssub.s32 $0x2, s7;
	s25 =	smul.u32 $0x28000, s7  }
0xa: {  	p0 =	seq.s32 s7, $0x1;
	s17 =	smul.u32 $0x2800, s2;
	s10 =	sor.u32 s2, s4  }
0xb: {  	s31 =	sshll.u32 s2, $0x6;
	s4 =	sadd.s32 $0xDA00, s5;
	s11 =	smul.u32 $0x2800, s10  }
0xc: {  	s23 =	sshrl.u32 s14, $0x1;
	s8 =	sadd.s32 s9, s8;
	s10 =	smul.u32 $0x500, s10  }
0xd: {  	s14 =	ssub.s32 s14, s23;
	s24 =	sshrl.u32 s22, $0x2;
	s28 =	sadd.s32 s17, s25  }
0xe: {  	s17 =	simm.s32 $0x2900;
	s22 =	simm.s32 $0x3;
	s23 =	simm.s32 $0x2  }
0xf: {  	s25 =	simm.s32 $0x2780;
	s8 =	sshrl.u32 s8, $0x3;
	s16 =	sadd.s32 s24, s1  }
0x10: {  	s9 =	smax.u32 s14, $0x1;
	s29 =	sor.u32 $0x100, s28;
	s30 =	sor.u32 $0x80, s28  }
0x11: {  	s24 =	simm.s32 $0x4;
	s8 =	sadd.s32 s8, s5;
	s5 =	sadd.s32 s4, s15  }
0x12: {  	s6 =	sadd.s32 s6, s10;
	s26 =	sshrl.u32 s11, $0x3;
	s11 =	sshrl.u32 s29, $0x3  }
0x13: {  	s14 =	sshrl.u32 s30, $0x3;
	s15 =	simm.s32 $0x5;
	s7 =	sadd.s32 s12, s26  }
0x14: {  	s8 =	sadd.s32 $0x37A00, s8;
	s11 =	sadd.s32 s11, s12;
	s12 =	sadd.s32 s14, s12  }
0x15: {  	s5 =	smov.u32 @p0 s13;
	s13 =	sor.u32 $0x1C05, s31;
	s14 =	sshrl.u32 s16, $0x3  }
0x16: {  	s16 =	simm.s32 $0x80;
	s26 =	simm.s32 $0x0;
	s10 =	sadd.s32 $0x4F0, s7  }
.LBB2_1:
0x17: {  	[spmem:s14], [sflag:s13] =	dma.local [hbm:s5], $0x2780  }
0x18: {  	_ =	swait.ge [sflag:s15], $0x2780  }
0x19: {  	[sflag:s15] =	ssyncset.done $0x0  }
0x1a: {  	[sflag:s15] =	ssyncadd.s32 $0xFFFFD880  }
0x1b: {  	[tilespmem:s3], [sflag:$0x5] =	stream.linear.gather [hbm4b:s6+s3], $0x2800, $0x38;
	[tilespmem:$0x1E500] =	vst v63  }
0x1c: {  	_ =	swait.ge [sflag:s15], $0x2800  }
0x1d: {  	[sflag:s15] =	ssyncset.done $0x0  }
0x1e: {  	[sflag:s15] =	ssyncadd.s32 $0xFFFFD800  }
0x1f: {  	[bflag:$0x0] =	sbarrier.arrive $0xFFFF  }
0x20: {  	[tilespmem:s17], [sflag:$0x1] =	stream.indirect.gather [hbm4b:s4+s16], $0x80, s3, s16, $0xb8;
	[tilespmem:$0x1E500] =	vst v63  }
0x21: {  	_ = 	snop  }
0x22: {  	[tilespmem:s18], [sflag:$0x3] =	stream.linear.gather [hbm4b:s7+s3], $0x80, $0x38;
	[tilespmem:$0x1E500] =	vst v63  }
0x23: {  	s28 =	simm.s32 $0x80  }
0x24: {  	[tilespmem:s19], [sflag:$0x2] =	stream.indirect.gather [hbm4b:s4+s16], $0x80, s28, s16, $0xb8;
	[tilespmem:$0x1E500] =	vst v63  }
0x25: {  	s28 =	sadd.s32 $0x0, s12  }
0x26: {  	[tilespmem:s20], [sflag:$0x4] =	stream.linear.gather [hbm4b:s28+s3], $0x80, $0x38;
	[tilespmem:$0x1E500] =	vst v63  }
0x27: {  	_ =	swait.ge [sflag:s21], $0x4000  }
0x28: {  	[sflag:s21] =	ssyncset.done $0x0  }
0x29: {  	[sflag:s21] =	ssyncadd.s32 $0xFFFFC000  }
0x2a: {  	_ =	swait.ge [sflag:s22], $0x80  }
0x2b: {  	[sflag:s22] =	ssyncset.done $0x0  }
0x2c: {  	[sflag:s22] =	ssyncadd.s32 $0xFFFFFF80  }
0x2d: {  	[spmem:s1] =	stream.indirect.scatter.add.f32 [tilespmem:s17], [sflag:$0x5], $0x80, s18, s16, $0xb8;
	[tilespmem:$0x1E500] =	vst v63  }
0x2e: {  	_ =	swait.ge [sflag:s15], $0x4000  }
0x2f: {  	[sflag:s15] =	ssyncset.done $0x0  }
0x30: {  	s28 =	simm.s32 $0x100;
	[sflag:s15] =	ssyncadd.s32 $0xFFFFC000  }
0x31: {  	[tilespmem:s17], [sflag:$0x1] =	stream.indirect.gather [hbm4b:s4+s16], $0x80, s28, s16, $0xb8;
	[tilespmem:$0x1E500] =	vst v63  }
0x32: {  	s28 =	sadd.s32 $0x0, s11  }
0x33: {  	[tilespmem:s18], [sflag:$0x3] =	stream.linear.gather [hbm4b:s28+s3], $0x80, $0x38;
	[tilespmem:$0x1E500] =	vst v63  }
0x34: {  	_ =	swait.ge [sflag:s23], $0x4000  }
0x35: {  	[sflag:s23] =	ssyncset.done $0x0  }
0x36: {  	[sflag:s23] =	ssyncadd.s32 $0xFFFFC000  }
0x37: {  	_ =	swait.ge [sflag:s24], $0x80  }
0x38: {  	[sflag:s24] =	ssyncset.done $0x0  }
0x39: {  	[sflag:s24] =	ssyncadd.s32 $0xFFFFFF80  }
0x3a: {  	[spmem:s1] =	stream.indirect.scatter.add.f32 [tilespmem:s19], [sflag:$0x5], $0x80, s20, s16, $0xb8;
	[tilespmem:$0x1E500] =	vst v63  }
0x3b: {  	s30 =	simm.s32 $0x40;
	_ =	swait.ge [sflag:s15], $0x4000  }
0x3c: {  	s29 =	simm.s32 $0x200;
	s28 =	simm.s32 $0x20;
	[sflag:s15] =	ssyncset.done $0x0  }
.LBB2_2:
0x3d: {  	p0 =	sne.s32 s30, $0x4C0;
	s31 =	sadd.s32 $0xFFFFFF80, s29;
	[sflag:s15] =	ssyncadd.s32 $0xFFFFC000  }
0x3e: {  	[tilespmem:s19], [sflag:$0x2] =	stream.indirect.gather [hbm4b:s4+s16], $0x80, s31, s16, $0xb8;
	[tilespmem:$0x1E500] =	vst v63  }
0x3f: {  	s0 =	smov.u32 s30;
	s30 =	sadd.s32 $0x20, s30;
	s31 =	sadd.s32 s28, s12  }
0x40: {  	[tilespmem:s20], [sflag:$0x4] =	stream.linear.gather [hbm4b:s31+s3], $0x80, $0x38;
	[tilespmem:$0x1E500] =	vst v63  }
0x41: {  	_ =	swait.ge [sflag:s21], $0x4000  }
0x42: {  	[sflag:s21] =	ssyncset.done $0x0  }
0x43: {  	[sflag:s21] =	ssyncadd.s32 $0xFFFFC000  }
0x44: {  	_ =	swait.ge [sflag:s22], $0x80  }
0x45: {  	[sflag:s22] =	ssyncset.done $0x0  }
0x46: {  	[sflag:s22] =	ssyncadd.s32 $0xFFFFFF80  }
0x47: {  	[spmem:s1] =	stream.indirect.scatter.add.f32 [tilespmem:s17], [sflag:$0x5], $0x80, s18, s16, $0xb8;
	[tilespmem:$0x1E500] =	vst v63  }
0x48: {  	_ =	swait.ge [sflag:s15], $0x4000  }
0x49: {  	[sflag:s15] =	ssyncset.done $0x0  }
0x4a: {  	[sflag:s15] =	ssyncadd.s32 $0xFFFFC000  }
0x4b: {  	[tilespmem:s17], [sflag:$0x1] =	stream.indirect.gather [hbm4b:s4+s16], $0x80, s29, s16, $0xb8;
	[tilespmem:$0x1E500] =	vst v63  }
0x4c: {  	s31 =	sadd.s32 s28, s11;
	s28 =	smov.u32 s0  }
0x4d: {  	[tilespmem:s18], [sflag:$0x3] =	stream.linear.gather [hbm4b:s31+s3], $0x80, $0x38;
	[tilespmem:$0x1E500] =	vst v63  }
0x4e: {  	_ =	swait.ge [sflag:s23], $0x4000  }
0x4f: {  	[sflag:s23] =	ssyncset.done $0x0  }
0x50: {  	[sflag:s23] =	ssyncadd.s32 $0xFFFFC000  }
0x51: {  	_ =	swait.ge [sflag:s24], $0x80  }
.Ltmp0:
0x52: {  	[sflag:s24] =	ssyncset.done $0x0;
	(pc) =	sbr.rel @p0 .LBB2_2-.Ltmp0, $4  }
0x53: {  	[sflag:s24] =	ssyncadd.s32 $0xFFFFFF80  }
0x54: {  	[spmem:s1] =	stream.indirect.scatter.add.f32 [tilespmem:s19], [sflag:$0x5], $0x80, s20, s16, $0xb8;
	[tilespmem:$0x1E500] =	vst v63  }
0x55: {  	_ =	swait.ge [sflag:s15], $0x4000  }
0x56: {  	s29 =	sadd.s32 $0x100, s29;
	[sflag:s15] =	ssyncset.done $0x0  }
0x57: {  	s0 =	sadd.s32 $0xFFFFFF80, s29;
	[sflag:s15] =	ssyncadd.s32 $0xFFFFC000  }
0x58: {  	[tilespmem:s19], [sflag:$0x2] =	stream.indirect.gather [hbm4b:s4+s16], $0x80, s0, s16, $0xb8;
	[tilespmem:$0x1E500] =	vst v63  }
0x59: {  	s30 =	sadd.s32 s28, s12  }
0x5a: {  	[tilespmem:s20], [sflag:$0x4] =	stream.linear.gather [hbm4b:s30+s3], $0x80, $0x38;
	[tilespmem:$0x1E500] =	vst v63  }
0x5b: {  	_ =	swait.ge [sflag:s21], $0x4000  }
0x5c: {  	[sflag:s21] =	ssyncset.done $0x0  }
0x5d: {  	[sflag:s21] =	ssyncadd.s32 $0xFFFFC000  }
0x5e: {  	_ =	swait.ge [sflag:s22], $0x80  }
0x5f: {  	[sflag:s22] =	ssyncset.done $0x0  }
0x60: {  	[sflag:s22] =	ssyncadd.s32 $0xFFFFFF80  }
0x61: {  	[spmem:s1] =	stream.indirect.scatter.add.f32 [tilespmem:s17], [sflag:$0x5], $0x80, s18, s16, $0xb8;
	[tilespmem:$0x1E500] =	vst v63  }
0x62: {  	_ =	swait.ge [sflag:s15], $0x4000  }
0x63: {  	[sflag:s15] =	ssyncset.done $0x0  }
0x64: {  	[sflag:s15] =	ssyncadd.s32 $0xFFFFC000  }
0x65: {  	[tilespmem:s17], [sflag:$0x1] =	stream.indirect.gather [hbm4b:s4+s16], $0x80, s29, s16, $0xb8;
	[tilespmem:$0x1E500] =	vst v63  }
0x66: {  	s31 =	sadd.s32 s28, s11  }
0x67: {  	[tilespmem:s18], [sflag:$0x3] =	stream.linear.gather [hbm4b:s31+s3], $0x80, $0x38;
	[tilespmem:$0x1E500] =	vst v63  }
0x68: {  	_ =	swait.ge [sflag:s23], $0x4000  }
0x69: {  	[sflag:s23] =	ssyncset.done $0x0  }
0x6a: {  	[sflag:s23] =	ssyncadd.s32 $0xFFFFC000  }
0x6b: {  	_ =	swait.ge [sflag:s24], $0x80  }
0x6c: {  	[sflag:s24] =	ssyncset.done $0x0  }
0x6d: {  	[sflag:s24] =	ssyncadd.s32 $0xFFFFFF80  }
0x6e: {  	[spmem:s1] =	stream.indirect.scatter.add.f32 [tilespmem:s19], [sflag:$0x5], $0x80, s20, s16, $0xb8;
	[tilespmem:$0x1E500] =	vst v63  }
0x6f: {  	_ =	swait.ge [sflag:s15], $0x4000  }
0x70: {  	[sflag:s15] =	ssyncset.done $0x0  }
0x71: {  	[sflag:s15] =	ssyncadd.s32 $0xFFFFC000  }
0x72: {  	[tilespmem:s19], [sflag:$0x2] =	stream.indirect.gather [hbm4b:s4+s16], $0x80, s25, s16, $0xb8;
	[tilespmem:$0x1E500] =	vst v63  }
0x73: {  	_ = 	snop  }
0x74: {  	[tilespmem:s20], [sflag:$0x4] =	stream.linear.gather [hbm4b:s10+s3], $0x80, $0x38;
	[tilespmem:$0x1E500] =	vst v63  }
0x75: {  	_ =	swait.ge [sflag:s21], $0x4000  }
0x76: {  	[sflag:s21] =	ssyncset.done $0x0  }
0x77: {  	[sflag:s21] =	ssyncadd.s32 $0xFFFFC000  }
0x78: {  	_ =	swait.ge [sflag:s22], $0x80  }
0x79: {  	[sflag:s22] =	ssyncset.done $0x0  }
0x7a: {  	[sflag:s22] =	ssyncadd.s32 $0xFFFFFF80  }
0x7b: {  	[spmem:s1] =	stream.indirect.scatter.add.f32 [tilespmem:s17], [sflag:$0x5], $0x80, s18, s16, $0xb8;
	[tilespmem:$0x1E500] =	vst v63  }
0x7c: {  	_ =	swait.ge [sflag:s15], $0x4000  }
0x7d: {  	[sflag:s15] =	ssyncset.done $0x0  }
0x7e: {  	[sflag:s15] =	ssyncadd.s32 $0xFFFFC000  }
0x7f: {  	_ =	swait.ge [sflag:s23], $0x4000  }
0x80: {  	[sflag:s23] =	ssyncset.done $0x0  }
0x81: {  	[sflag:s23] =	ssyncadd.s32 $0xFFFFC000  }
0x82: {  	_ =	swait.ge [sflag:s24], $0x80  }
0x83: {  	[sflag:s24] =	ssyncset.done $0x0  }
0x84: {  	[sflag:s24] =	ssyncadd.s32 $0xFFFFFF80  }
0x85: {  	[spmem:s1] =	stream.indirect.scatter.add.f32 [tilespmem:s19], [sflag:$0x5], $0x80, s20, s16, $0xb8;
	[tilespmem:$0x1E500] =	vst v63  }
0x86: {  	_ =	swait.ge [sflag:s15], $0x4000  }
0x87: {  	s26 =	sadd.s32 $0x1, s26;
	[sflag:s15] =	ssyncset.done $0x0  }
0x88: {  	p0 =	sne.s32 s26, s9;
	[sflag:s15] =	ssyncadd.s32 $0xFFFFC000  }
.Ltmp1:
0x89: {  	[bflag:$0x0] =	sbarrier.arrive $0xFFFF;
	(pc) =	sbr.rel @p0 .LBB2_1-.Ltmp1, $4  }
0x8a: {  	[hbm:s8], [sflag:s13] =	dma.local [spmem:s14], $0x2780  }
0x8b: {  	_ =	swait.ge [sflag:s15], $0x2780  }
0x8c: {  	[sflag:s15] =	ssyncset.done $0x0  }
0x8d: {  	[sflag:s15] =	ssyncadd.s32 $0xFFFFD880  }
0x8e: {  	_ =	sfence.sel $0x180000  }
0x8f: {  	[bflag:$0x0] =	sbarrier.arrive $0xFFFF  }
0x90: {  	_ =	strace $0x9000004A  }
0x91: {  	[bflag:$0x2] =	sbarrier.arrive $0xFFFF  }
0x92: {  	p0 =	sne.s32 s2, $0x0;
	s0 =	rddreg [dreg:$0x3]  }
0x93: {  	s0 =	sadd.s32 @!p0 $0x100000, s0  }
0x94: {  	[sflag:s0] =	ssyncadd.tile.s32 @!p0 $0x1;
	_ =	shalt  }
.Lfunc_end2:
_tile_overlayer_lowered:
.L_overlay_start_2:
0x95: {  	(tag) =	ssettag $0x2  }
0x96: {  	s0 =	rddreg [dreg:$0x0];
	s2 =	stileid.u32  }
0x97: {  	s1 =	rddreg [dreg:$0x1];
	p0 =	sne.s32 s2, $0x0  }
0x98: {  	s3 =	rddreg [dreg:$0x2];
	[bflag:$0x3] =	sbarrier.arrive $0xFFFF;
	s2 =	simm.s32 @!p0 $0x1C05  }
0x99: {  	[timem:s3], [sflag:s2] =	dma.local @!p0 [hbm:s0], s1  }
0x9a: {  	s0 =	simm.s32 @!p0 $0x5  }
0x9b: {  	_ =	swait.ge @!p0 [sflag:s0], s1  }
0x9c: {  	s1 =	ssub.s32 @!p0 $0x0, s1;
	[sflag:s0] =	ssyncset.done @!p0 $0x0  }
0x9d: {  	[sflag:s0] =	ssyncadd.s32 @!p0 s1  }
0x9e: {  	[bflag:$0x3] =	sbarrier.arrive $0xFFFF  }
0x9f: {  	_ =	shalt  }

// kernel: kernel.16.cloned.1.call-start
scs
__scs_entry_jumppad:
0x0: {  	(pc) =	sbr.rel $0x88, $3  }
0x1: {  	(tag) =	ssettag $0x0;
	lr =	simm.s32 $0x1  }
0x2: {  	[smem:$0x3F94] =	sst lr;
	_ =	strace $0xD0000000  }
0x3: {  	_ = 	snop  }
0x4: {  	_ = 	snop  }
0x5: {  	_ = 	snop  }
0x6: {  	_ = 	snop  }
0x7: {  	_ = 	snop  }
__scs_overlays_trampoline_lowered:
0x8: {  	[smem:$0x3FA3] =	sst s0  }
0x9: {  	[smem:$0x3FA4] =	sst s1  }
0xa: {  	[smem:$0x3FA5] =	sst s2  }
0xb: {  	[smem:$0x3FA6] =	sst s3  }
0xc: {  	[smem:$0x3FA7] =	sst s4  }
0xd: {  	[smem:$0x3FA8] =	sst s5  }
0xe: {  	[smem:$0x3FA9] =	sst s6  }
0xf: {  	[smem:$0x3FAA] =	sst s7  }
0x10: {  	[smem:$0x3FAB] =	sst s8  }
0x11: {  	[smem:$0x3FAC] =	sst s9;
	s0 =	simm.s32 @!p0 $0x0  }
0x12: {  	s1 =	sld [smem:$0x3F92];
	s0 =	simm.s32 @p0 $0x1  }
0x13: {  	[smem:$0x3FAD] =	sst s0;
	s0 =	simm.s32 @!p1 $0x0  }
0x14: {  	s2 =	sld [smem:$0x3F91];
	s0 =	simm.s32 @p1 $0x1  }
0x15: {  	[smem:$0x3FAE] =	sst s0;
	s0 =	simm.s32 @!p2 $0x0  }
0x16: {  	s3 =	sld [smem:$0x3FDB];
	s0 =	simm.s32 @p2 $0x1  }
0x17: {  	s4 =	simm.s32 $0x1BF5;
	[smem:$0x3FB0] =	sst s0  }
0x18: {  	s0 =	sld [smem:$0x3F93];
	_ =	swait.ge [sflag:s4], $0x0  }
0x19: {  	s7 =	sld [smem:$0x3F94]  }
0x1a: {  	s8 =	sadd.s32 $0xFFFFE003, lr  }
0x1b: {  	s9 =	sadd.s32 $0xFFFFFEF7, lr;
	s5 =	simm.s32 $0xFFFFFFFF;
	p2 =	slt.u32 s8, $0xFFFFF086  }
0x1c: {  	p1 =	slt.u32 s9, $0xF7A;
	s5 =	simm.s32 @!p2 $0x0  }
0x1d: {  	s5 =	simm.s32 @p1 $0x1;
	p0 =	seq.s32 s7, s2  }
0x1e: {  	s7 =	smul.u32 @!p0 $0xF7A, s2;
	p2 =	seq.s32 @!p0 s5, $0x0  }
0x1f: {  	s9 =	smul.u32 $0xF7A, s1;
	s8 =	simm.s32 @!p0 $0x1BF5;
	p2 =	por !p2, p0  }
0x20: {  	[sflag:s8] =	ssyncset.s32 @!p0 $0xFFFFF086;
	s6 =	sadd.s32 @!p0 s3, s7;
	s7 =	simm.s32 @!p0 $0x108  }
0x21: {  	s3 =	sadd.s32 s3, s9;
	s6 =	sadd.s32 @!p0 $0x88, s6;
	s7 =	simm.s32 @p2 $0x1082  }
0x22: {  	[simem:s7], [sflag:s8] =	dma.local @!p0 [hbm:s6], $0xF7A  }
0x23: {  	s9 =	sor.u32 $0xD0000000, s2;
	s6 =	simm.s32 $0x108;
	_ =	swait.ge @!p0 [sflag:s8], $0x0  }
0x24: {  	s3 =	sadd.s32 $0x88, s3;
	s6 =	simm.s32 @!p1 $0x1082;
	[sflag:s4] =	ssyncset.s32 $0xFFFFF086  }
0x25: {  	[simem:s6], [sflag:s4] =	dma.local [hbm:s3], $0xF7A  }
0x26: {  	[smem:$0x3F94] =	sst s1;
	(tag) =	ssettag s2;
	_ =	strace s9  }
0x27: {  	s1 =	sld [smem:$0x3FA4]  }
0x28: {  	s2 =	sld [smem:$0x3FA5]  }
0x29: {  	s4 =	sld [smem:$0x3FA7]  }
0x2a: {  	p0 =	seq.s32 s5, $0x0;
	s5 =	sld [smem:$0x3FA8]  }
0x2b: {  	s6 =	sld [smem:$0x3FA9]  }
0x2c: {  	s7 =	sld [smem:$0x3FAA]  }
0x2d: {  	s3 =	simm.s32 $0x108;
	s8 =	sld [smem:$0x3FAB]  }
0x2e: {  	s3 =	simm.s32 @!p0 $0x1082;
	s9 =	sld [smem:$0x3FAC]  }
0x2f: {  	lr =	sadd.s32 s0, s3;
	s0 =	sld [smem:$0x3FA3]  }
0x30: {  	s3 =	sld [smem:$0x3FA6]  }
0x31: {  	[smem:$0x3FAF] =	sst s10  }
0x32: {  	s10 =	sld [smem:$0x3FAD];
	_ =	sdelay $0x3  }
0x33: {  	p0 =	seq.s32 s10, $0x1;
	s10 =	sld [smem:$0x3FAF];
	_ =	sdelay $0x3  }
0x34: {  	[smem:$0x3FAF] =	sst s10  }
0x35: {  	s10 =	sld [smem:$0x3FAE];
	_ =	sdelay $0x3  }
0x36: {  	p1 =	seq.s32 s10, $0x1;
	s10 =	sld [smem:$0x3FAF];
	_ =	sdelay $0x3  }
0x37: {  	[smem:$0x3FAF] =	sst s10  }
0x38: {  	s10 =	sld [smem:$0x3FB0]  }
0x39: {  	_ = 	snop;
	(pc) =	sbr.ind lr, $3  }
0x3a: {  	_ = 	snop  }
0x3b: {  	_ = 	snop  }
0x3c: {  	p2 =	seq.s32 s10, $0x1;
	s10 =	sld [smem:$0x3FAF]  }
0x3d: {  	_ =	shalt  }
0x3e: {  	_ =	shalt  }
0x3f: {  	_ =	shalt  }
0x40: {  	_ =	shalt  }
0x41: {  	_ =	shalt  }
0x42: {  	_ =	shalt  }
0x43: {  	_ =	shalt  }
0x44: {  	_ =	shalt  }
0x45: {  	_ =	shalt  }
0x46: {  	_ =	shalt  }
0x47: {  	_ =	shalt  }
0x48: {  	_ =	shalt  }
0x49: {  	_ =	shalt  }
0x4a: {  	_ =	shalt  }
0x4b: {  	_ =	shalt  }
0x4c: {  	_ =	shalt  }
0x4d: {  	_ =	shalt  }
0x4e: {  	_ =	shalt  }
0x4f: {  	_ =	shalt  }
0x50: {  	_ =	shalt  }
0x51: {  	_ =	shalt  }
0x52: {  	_ =	shalt  }
0x53: {  	_ =	shalt  }
0x54: {  	_ =	shalt  }
0x55: {  	_ =	shalt  }
0x56: {  	_ =	shalt  }
0x57: {  	_ =	shalt  }
0x58: {  	_ =	shalt  }
0x59: {  	_ =	shalt  }
0x5a: {  	_ =	shalt  }
0x5b: {  	_ =	shalt  }
0x5c: {  	_ =	shalt  }
0x5d: {  	_ =	shalt  }
0x5e: {  	_ =	shalt  }
0x5f: {  	_ =	shalt  }
0x60: {  	_ =	shalt  }
0x61: {  	_ =	shalt  }
0x62: {  	_ =	shalt  }
0x63: {  	_ =	shalt  }
0x64: {  	_ =	shalt  }
0x65: {  	_ =	shalt  }
0x66: {  	_ =	shalt  }
0x67: {  	_ =	shalt  }
0x68: {  	_ =	shalt  }
0x69: {  	_ =	shalt  }
0x6a: {  	_ =	shalt  }
0x6b: {  	_ =	shalt  }
0x6c: {  	_ =	shalt  }
0x6d: {  	_ =	shalt  }
0x6e: {  	_ =	shalt  }
0x6f: {  	_ =	shalt  }
0x70: {  	_ =	shalt  }
0x71: {  	_ =	shalt  }
0x72: {  	_ =	shalt  }
0x73: {  	_ =	shalt  }
0x74: {  	_ =	shalt  }
0x75: {  	_ =	shalt  }
0x76: {  	_ =	shalt  }
0x77: {  	_ =	shalt  }
0x78: {  	_ =	shalt  }
0x79: {  	_ =	shalt  }
0x7a: {  	_ =	shalt  }
0x7b: {  	_ =	shalt  }
0x7c: {  	_ =	shalt  }
0x7d: {  	_ =	shalt  }
0x7e: {  	_ =	shalt  }
0x7f: {  	_ =	shalt  }
0x80: {  	_ =	shalt  }
0x81: {  	_ =	shalt  }
0x82: {  	_ =	shalt  }
0x83: {  	_ =	shalt  }
0x84: {  	_ =	shalt  }
0x85: {  	_ =	shalt  }
0x86: {  	_ =	shalt  }
0x87: {  	_ =	shalt  }
.Lfunc_end0:
.L_simem_size_0:
called_computation.2_lowered:
.L_overlay_start_0:
0x88: {  	s2 =	sld [smem:$0x3FD9]  }
0x89: {  	s3 =	sld [smem:$0x3FFE];
	_ =	sdelay $0x1  }
0x8a: {  	s1 =	srdreg.scid  }
0x8b: {  	s0 =	sand.u32 $0x1, s1  }
0x8c: {  	s17 =	sshll.u32 s0, $0xA;
	s2 =	sadd.s32 s3, s2  }
0x8d: {  	s2 =	sadd.s32 s2, s17  }
0x8e: {  	[smem:$0x3FBB] =	sst s2  }
0x8f: {  	_ = 	snop  }
0x90: {  	s2 =	sld [smem:$0x3FD0];
	(tm) =	ssettm $0x1  }
0x91: {  	s18 =	sld [smem:$0x3FFB];
	_ =	sdelay $0x3  }
0x92: {  	_ =	strace s18  }
0x93: {  	s3 =	sld [smem:$0x3FFC];
	_ =	sdelay $0x3  }
0x94: {  	_ =	strace s3  }
0x95: {  	s3 =	sld [smem:$0x3FFD];
	_ =	sdelay $0x3  }
0x96: {  	_ =	strace s3  }
0x97: {  	_ =	strace $0x8FFFFFFF  }
0x98: {  	s19 =	sld [smem:$0x3FDB];
	_ =	sdelay $0x1  }
0x99: {  	s4 =	simm.s32 $_scs_section_size  }
0x9a: {  	s5 =	simm.s32 $_size__tile_overlayer_lowered;
	s6 =	simm.s32 $_tile_overlayer_lowered  }
0x9b: {  	s22 =	simm.s32 $0x1BFF;
	s21 =	sshll.u32 s6, $0x1;
	s3 =	sadd.s32 s4, s19  }
0x9c: {  	s7 =	simm.s32 $0x0;
	s20 =	sshll.u32 s5, $0x1;
	s5 =	sadd.s32 s21, s3  }
0x9d: {  	[timem:s7], [sflag:s22] =	dma.local [hbm:s5], s20  }
0x9e: {  	_ =	swait.ge [sflag:s22], s20  }
0x9f: {  	s4 =	ssub.s32 $0x0, s20;
	[sflag:s22] =	ssyncset.done $0x0  }
0xa0: {  	[sflag:s22] =	ssyncadd.s32 s4;
	_ =	sdelay $0x1  }
0xa1: {  	s23 =	simm.s32 $0x1B8B  }
0xa2: {  	_ =	swait.ge [sflag:s23], $0x1  }
0xa3: {  	[sflag:s23] =	ssyncset.done $0x0  }
0xa4: {  	s25 =	simm.s32 $0x1B8E;
	s24 =	sld [smem:$0x3FFE];
	[sflag:s23] =	ssyncadd.s32 $0xFFFFFFFF  }
0xa5: {  	s26 =	simm.s32 $execute0_lowered;
	[smem:$0x3FD2] =	sst s25  }
0xa6: {  	s5 =	sshll.u32 s26, $0x1;
	_ =	strace $0x8000004C;
	[dreg:$0x1] =	wrdreg $0xFFFFFFFF  }
0xa7: {  	s28 =	simm.s32 $_size_execute0_lowered;
	s3 =	sadd.s32 s3, s5;
	[dreg:$0x0] =	wrdreg $0x0  }
0xa8: {  	s5 =	sshll.u32 s28, $0x1;
	[dreg:$0x2] =	wrdreg s3  }
0xa9: {  	[dreg:$0x3] =	wrdreg s5  }
0xaa: {  	[dreg:$0x4] =	wrdreg $0xC0  }
0xab: {  	_ =	task [dreg:s7], $0x5FFFF  }
0xac: {  	[dreg:$0x1] =	wrdreg $0xFFFFFFFF  }
0xad: {  	[dreg:$0x0] =	wrdreg $0x60  }
0xae: {  	[dreg:$0x2] =	wrdreg s24  }
0xaf: {  	[dreg:$0x3] =	wrdreg s2  }
0xb0: {  	[dreg:$0x4] =	wrdreg $0xA9000  }
0xb1: {  	[dreg:$0x5] =	wrdreg $0x9  }
0xb2: {  	_ =	task.clear_ibuf [dreg:s7], $0x6FFFF;
	_ =	strace $0x9000004C  }
0xb3: {  	s29 =	simm.s32 $0x9;
	_ =	strace $0x8000004E  }
0xb4: {  	_ =	swait.ge [sflag:s29], $0x1  }
0xb5: {  	[sflag:s29] =	ssyncadd.s32 $0xFFFFFFFF  }
0xb6: {  	_ =	strace $0x9000004E  }
0xb7: {  	_ =	sfence  }
0xb8: {  	s30 =	sld [smem:$0x0];
	_ =	sdelay $0x2  }
0xb9: {  	s31 =	sshll.u32 s1, $0xD;
	s1 =	sshrl.u32 s1, $0x2  }
0xba: {  	s3 =	sand.u32 $0x4000, s31;
	s1 =	sadd.s32 s1, s30  }
0xbb: {  	s0 =	sor.u32 s3, s0;
	s1 =	sshll.u32 s1, $0x11  }
0xbc: {  	s0 =	sor.u32 s1, s0  }
0xbd: {  	s0 =	sadd.s32 $0x8F2B, s0  }
0xbe: {  	[sflag:s0] =	ssyncadd.remote.s32 $0x1  }
0xbf: {  	_ =	sfence.sel $0xFFFF  }
0xc0: {  	[dreg:$0x0] =	wrdreg $0xFFFFFFFF;
	(pc) =	sbr.abs _section_cstart, $3  }
0xc1: {  	[dreg:$0x1] =	wrdreg $0xFFFFFFFF  }
0xc2: {  	_ =	task.clear_ibuf [dreg:s7], $0x2FFFF;
	_ =	strace $0x9FFFFFFF  }
0xc3: {  	(tm) =	ssettm $0x7FFFFFFF  }
tec
execute0_lowered:
.L_overlay_start_1:
0x0: {  	(tag) =	ssettag $0x1  }
0x1: {  	s5 =	rddreg [dreg:$0x0]  }
0x2: {  	s6 =	rddreg [dreg:$0x1]  }
0x3: {  	s1 =	rddreg [dreg:$0x2];
	s2 =	srdreg.scid  }
0x4: {  	s3 =	simm.s32 $0x0;
	s18 =	simm.s32 $0x2800;
	s7 =	sand.u32 $0x1, s2  }
0x5: {  	s19 =	simm.s32 $0x6900;
	s2 =	stileid.u32;
	s8 =	smul.u32 $0x13C000, s7  }
0x6: {  	s20 =	simm.s32 $0x2880;
	s21 =	simm.s32 $0x1;
	s9 =	smul.u32 $0x13C00, s2  }
0x7: {  	[smem:$0x7FF] =	sst s3;
	s12 =	sadd.s32 $0x3A00, s5;
	s22 =	smul.u32 $0x4F000, s2  }
0x8: {  	s13 =	sadd.s32 $0x35200, s5;
	s4 =	sshll.u32 s7, $0x4;
	s15 =	smul.u32 $0x2780, s2  }
0x9: {  	_ =	strace $0x8000004D;
	s14 =	ssub.s32 $0x2, s7;
	s25 =	smul.u32 $0x28000, s7  }
0xa: {  	p0 =	seq.s32 s7, $0x1;
	s17 =	smul.u32 $0x2800, s2;
	s10 =	sor.u32 s2, s4  }
0xb: {  	s31 =	sshll.u32 s2, $0x6;
	s4 =	sadd.s32 $0xDA00, s5;
	s11 =	smul.u32 $0x2800, s10  }
0xc: {  	s23 =	sshrl.u32 s14, $0x1;
	s8 =	sadd.s32 s9, s8;
	s10 =	smul.u32 $0x500, s10  }
0xd: {  	s14 =	ssub.s32 s14, s23;
	s24 =	sshrl.u32 s22, $0x2;
	s28 =	sadd.s32 s17, s25  }
0xe: {  	s17 =	simm.s32 $0x2900;
	s22 =	simm.s32 $0x3;
	s23 =	simm.s32 $0x2  }
0xf: {  	s25 =	simm.s32 $0x2780;
	s8 =	sshrl.u32 s8, $0x3;
	s16 =	sadd.s32 s24, s1  }
0x10: {  	s9 =	smax.u32 s14, $0x1;
	s29 =	sor.u32 $0x100, s28;
	s30 =	sor.u32 $0x80, s28  }
0x11: {  	s24 =	simm.s32 $0x4;
	s8 =	sadd.s32 s8, s5;
	s5 =	sadd.s32 s4, s15  }
0x12: {  	s6 =	sadd.s32 s6, s10;
	s26 =	sshrl.u32 s11, $0x3;
	s11 =	sshrl.u32 s29, $0x3  }
0x13: {  	s14 =	sshrl.u32 s30, $0x3;
	s15 =	simm.s32 $0x5;
	s7 =	sadd.s32 s12, s26  }
0x14: {  	s8 =	sadd.s32 $0x37A00, s8;
	s11 =	sadd.s32 s11, s12;
	s12 =	sadd.s32 s14, s12  }
0x15: {  	s5 =	smov.u32 @p0 s13;
	s13 =	sor.u32 $0x1C05, s31;
	s14 =	sshrl.u32 s16, $0x3  }
0x16: {  	s16 =	simm.s32 $0x80;
	s26 =	simm.s32 $0x0;
	s10 =	sadd.s32 $0x4F0, s7  }
.LBB2_1:
0x17: {  	[spmem:s14], [sflag:s13] =	dma.local [hbm:s5], $0x2780  }
0x18: {  	_ =	swait.ge [sflag:s15], $0x2780  }
0x19: {  	[sflag:s15] =	ssyncset.done $0x0  }
0x1a: {  	[sflag:s15] =	ssyncadd.s32 $0xFFFFD880  }
0x1b: {  	[tilespmem:s3], [sflag:$0x5] =	stream.linear.gather [hbm4b:s6+s3], $0x2800, $0x38;
	[tilespmem:$0x1E500] =	vst v63  }
0x1c: {  	_ =	swait.ge [sflag:s15], $0x2800  }
0x1d: {  	[sflag:s15] =	ssyncset.done $0x0  }
0x1e: {  	[sflag:s15] =	ssyncadd.s32 $0xFFFFD800  }
0x1f: {  	[bflag:$0x0] =	sbarrier.arrive $0xFFFF  }
0x20: {  	[tilespmem:s17], [sflag:$0x1] =	stream.indirect.gather [hbm4b:s4+s16], $0x80, s3, s16, $0xb8;
	[tilespmem:$0x1E500] =	vst v63  }
0x21: {  	_ = 	snop  }
0x22: {  	[tilespmem:s18], [sflag:$0x3] =	stream.linear.gather [hbm4b:s7+s3], $0x80, $0x38;
	[tilespmem:$0x1E500] =	vst v63  }
0x23: {  	s28 =	simm.s32 $0x80  }
0x24: {  	[tilespmem:s19], [sflag:$0x2] =	stream.indirect.gather [hbm4b:s4+s16], $0x80, s28, s16, $0xb8;
	[tilespmem:$0x1E500] =	vst v63  }
0x25: {  	s28 =	sadd.s32 $0x0, s12  }
0x26: {  	[tilespmem:s20], [sflag:$0x4] =	stream.linear.gather [hbm4b:s28+s3], $0x80, $0x38;
	[tilespmem:$0x1E500] =	vst v63  }
0x27: {  	_ =	swait.ge [sflag:s21], $0x4000  }
0x28: {  	[sflag:s21] =	ssyncset.done $0x0  }
0x29: {  	[sflag:s21] =	ssyncadd.s32 $0xFFFFC000  }
0x2a: {  	_ =	swait.ge [sflag:s22], $0x80  }
0x2b: {  	[sflag:s22] =	ssyncset.done $0x0  }
0x2c: {  	[sflag:s22] =	ssyncadd.s32 $0xFFFFFF80  }
0x2d: {  	[spmem:s1] =	stream.indirect.scatter.add.f32 [tilespmem:s17], [sflag:$0x5], $0x80, s18, s16, $0xb8;
	[tilespmem:$0x1E500] =	vst v63  }
0x2e: {  	_ =	swait.ge [sflag:s15], $0x4000  }
0x2f: {  	[sflag:s15] =	ssyncset.done $0x0  }
0x30: {  	s28 =	simm.s32 $0x100;
	[sflag:s15] =	ssyncadd.s32 $0xFFFFC000  }
0x31: {  	[tilespmem:s17], [sflag:$0x1] =	stream.indirect.gather [hbm4b:s4+s16], $0x80, s28, s16, $0xb8;
	[tilespmem:$0x1E500] =	vst v63  }
0x32: {  	s28 =	sadd.s32 $0x0, s11  }
0x33: {  	[tilespmem:s18], [sflag:$0x3] =	stream.linear.gather [hbm4b:s28+s3], $0x80, $0x38;
	[tilespmem:$0x1E500] =	vst v63  }
0x34: {  	_ =	swait.ge [sflag:s23], $0x4000  }
0x35: {  	[sflag:s23] =	ssyncset.done $0x0  }
0x36: {  	[sflag:s23] =	ssyncadd.s32 $0xFFFFC000  }
0x37: {  	_ =	swait.ge [sflag:s24], $0x80  }
0x38: {  	[sflag:s24] =	ssyncset.done $0x0  }
0x39: {  	[sflag:s24] =	ssyncadd.s32 $0xFFFFFF80  }
0x3a: {  	[spmem:s1] =	stream.indirect.scatter.add.f32 [tilespmem:s19], [sflag:$0x5], $0x80, s20, s16, $0xb8;
	[tilespmem:$0x1E500] =	vst v63  }
0x3b: {  	s30 =	simm.s32 $0x40;
	_ =	swait.ge [sflag:s15], $0x4000  }
0x3c: {  	s29 =	simm.s32 $0x200;
	s28 =	simm.s32 $0x20;
	[sflag:s15] =	ssyncset.done $0x0  }
.LBB2_2:
0x3d: {  	p0 =	sne.s32 s30, $0x4C0;
	s31 =	sadd.s32 $0xFFFFFF80, s29;
	[sflag:s15] =	ssyncadd.s32 $0xFFFFC000  }
0x3e: {  	[tilespmem:s19], [sflag:$0x2] =	stream.indirect.gather [hbm4b:s4+s16], $0x80, s31, s16, $0xb8;
	[tilespmem:$0x1E500] =	vst v63  }
0x3f: {  	s0 =	smov.u32 s30;
	s30 =	sadd.s32 $0x20, s30;
	s31 =	sadd.s32 s28, s12  }
0x40: {  	[tilespmem:s20], [sflag:$0x4] =	stream.linear.gather [hbm4b:s31+s3], $0x80, $0x38;
	[tilespmem:$0x1E500] =	vst v63  }
0x41: {  	_ =	swait.ge [sflag:s21], $0x4000  }
0x42: {  	[sflag:s21] =	ssyncset.done $0x0  }
0x43: {  	[sflag:s21] =	ssyncadd.s32 $0xFFFFC000  }
0x44: {  	_ =	swait.ge [sflag:s22], $0x80  }
0x45: {  	[sflag:s22] =	ssyncset.done $0x0  }
0x46: {  	[sflag:s22] =	ssyncadd.s32 $0xFFFFFF80  }
0x47: {  	[spmem:s1] =	stream.indirect.scatter.add.f32 [tilespmem:s17], [sflag:$0x5], $0x80, s18, s16, $0xb8;
	[tilespmem:$0x1E500] =	vst v63  }
0x48: {  	_ =	swait.ge [sflag:s15], $0x4000  }
0x49: {  	[sflag:s15] =	ssyncset.done $0x0  }
0x4a: {  	[sflag:s15] =	ssyncadd.s32 $0xFFFFC000  }
0x4b: {  	[tilespmem:s17], [sflag:$0x1] =	stream.indirect.gather [hbm4b:s4+s16], $0x80, s29, s16, $0xb8;
	[tilespmem:$0x1E500] =	vst v63  }
0x4c: {  	s31 =	sadd.s32 s28, s11;
	s28 =	smov.u32 s0  }
0x4d: {  	[tilespmem:s18], [sflag:$0x3] =	stream.linear.gather [hbm4b:s31+s3], $0x80, $0x38;
	[tilespmem:$0x1E500] =	vst v63  }
0x4e: {  	_ =	swait.ge [sflag:s23], $0x4000  }
0x4f: {  	[sflag:s23] =	ssyncset.done $0x0  }
0x50: {  	[sflag:s23] =	ssyncadd.s32 $0xFFFFC000  }
0x51: {  	_ =	swait.ge [sflag:s24], $0x80  }
.Ltmp0:
0x52: {  	[sflag:s24] =	ssyncset.done $0x0;
	(pc) =	sbr.rel @p0 .LBB2_2-.Ltmp0, $4  }
0x53: {  	[sflag:s24] =	ssyncadd.s32 $0xFFFFFF80  }
0x54: {  	[spmem:s1] =	stream.indirect.scatter.add.f32 [tilespmem:s19], [sflag:$0x5], $0x80, s20, s16, $0xb8;
	[tilespmem:$0x1E500] =	vst v63  }
0x55: {  	_ =	swait.ge [sflag:s15], $0x4000  }
0x56: {  	s29 =	sadd.s32 $0x100, s29;
	[sflag:s15] =	ssyncset.done $0x0  }
0x57: {  	s0 =	sadd.s32 $0xFFFFFF80, s29;
	[sflag:s15] =	ssyncadd.s32 $0xFFFFC000  }
0x58: {  	[tilespmem:s19], [sflag:$0x2] =	stream.indirect.gather [hbm4b:s4+s16], $0x80, s0, s16, $0xb8;
	[tilespmem:$0x1E500] =	vst v63  }
0x59: {  	s30 =	sadd.s32 s28, s12  }
0x5a: {  	[tilespmem:s20], [sflag:$0x4] =	stream.linear.gather [hbm4b:s30+s3], $0x80, $0x38;
	[tilespmem:$0x1E500] =	vst v63  }
0x5b: {  	_ =	swait.ge [sflag:s21], $0x4000  }
0x5c: {  	[sflag:s21] =	ssyncset.done $0x0  }
0x5d: {  	[sflag:s21] =	ssyncadd.s32 $0xFFFFC000  }
0x5e: {  	_ =	swait.ge [sflag:s22], $0x80  }
0x5f: {  	[sflag:s22] =	ssyncset.done $0x0  }
0x60: {  	[sflag:s22] =	ssyncadd.s32 $0xFFFFFF80  }
0x61: {  	[spmem:s1] =	stream.indirect.scatter.add.f32 [tilespmem:s17], [sflag:$0x5], $0x80, s18, s16, $0xb8;
	[tilespmem:$0x1E500] =	vst v63  }
0x62: {  	_ =	swait.ge [sflag:s15], $0x4000  }
0x63: {  	[sflag:s15] =	ssyncset.done $0x0  }
0x64: {  	[sflag:s15] =	ssyncadd.s32 $0xFFFFC000  }
0x65: {  	[tilespmem:s17], [sflag:$0x1] =	stream.indirect.gather [hbm4b:s4+s16], $0x80, s29, s16, $0xb8;
	[tilespmem:$0x1E500] =	vst v63  }
0x66: {  	s31 =	sadd.s32 s28, s11  }
0x67: {  	[tilespmem:s18], [sflag:$0x3] =	stream.linear.gather [hbm4b:s31+s3], $0x80, $0x38;
	[tilespmem:$0x1E500] =	vst v63  }
0x68: {  	_ =	swait.ge [sflag:s23], $0x4000  }
0x69: {  	[sflag:s23] =	ssyncset.done $0x0  }
0x6a: {  	[sflag:s23] =	ssyncadd.s32 $0xFFFFC000  }
0x6b: {  	_ =	swait.ge [sflag:s24], $0x80  }
0x6c: {  	[sflag:s24] =	ssyncset.done $0x0  }
0x6d: {  	[sflag:s24] =	ssyncadd.s32 $0xFFFFFF80  }
0x6e: {  	[spmem:s1] =	stream.indirect.scatter.add.f32 [tilespmem:s19], [sflag:$0x5], $0x80, s20, s16, $0xb8;
	[tilespmem:$0x1E500] =	vst v63  }
0x6f: {  	_ =	swait.ge [sflag:s15], $0x4000  }
0x70: {  	[sflag:s15] =	ssyncset.done $0x0  }
0x71: {  	[sflag:s15] =	ssyncadd.s32 $0xFFFFC000  }
0x72: {  	[tilespmem:s19], [sflag:$0x2] =	stream.indirect.gather [hbm4b:s4+s16], $0x80, s25, s16, $0xb8;
	[tilespmem:$0x1E500] =	vst v63  }
0x73: {  	_ = 	snop  }
0x74: {  	[tilespmem:s20], [sflag:$0x4] =	stream.linear.gather [hbm4b:s10+s3], $0x80, $0x38;
	[tilespmem:$0x1E500] =	vst v63  }
0x75: {  	_ =	swait.ge [sflag:s21], $0x4000  }
0x76: {  	[sflag:s21] =	ssyncset.done $0x0  }
0x77: {  	[sflag:s21] =	ssyncadd.s32 $0xFFFFC000  }
0x78: {  	_ =	swait.ge [sflag:s22], $0x80  }
0x79: {  	[sflag:s22] =	ssyncset.done $0x0  }
0x7a: {  	[sflag:s22] =	ssyncadd.s32 $0xFFFFFF80  }
0x7b: {  	[spmem:s1] =	stream.indirect.scatter.add.f32 [tilespmem:s17], [sflag:$0x5], $0x80, s18, s16, $0xb8;
	[tilespmem:$0x1E500] =	vst v63  }
0x7c: {  	_ =	swait.ge [sflag:s15], $0x4000  }
0x7d: {  	[sflag:s15] =	ssyncset.done $0x0  }
0x7e: {  	[sflag:s15] =	ssyncadd.s32 $0xFFFFC000  }
0x7f: {  	_ =	swait.ge [sflag:s23], $0x4000  }
0x80: {  	[sflag:s23] =	ssyncset.done $0x0  }
0x81: {  	[sflag:s23] =	ssyncadd.s32 $0xFFFFC000  }
0x82: {  	_ =	swait.ge [sflag:s24], $0x80  }
0x83: {  	[sflag:s24] =	ssyncset.done $0x0  }
0x84: {  	[sflag:s24] =	ssyncadd.s32 $0xFFFFFF80  }
0x85: {  	[spmem:s1] =	stream.indirect.scatter.add.f32 [tilespmem:s19], [sflag:$0x5], $0x80, s20, s16, $0xb8;
	[tilespmem:$0x1E500] =	vst v63  }
0x86: {  	_ =	swait.ge [sflag:s15], $0x4000  }
0x87: {  	s26 =	sadd.s32 $0x1, s26;
	[sflag:s15] =	ssyncset.done $0x0  }
0x88: {  	p0 =	sne.s32 s26, s9;
	[sflag:s15] =	ssyncadd.s32 $0xFFFFC000  }
.Ltmp1:
0x89: {  	[bflag:$0x0] =	sbarrier.arrive $0xFFFF;
	(pc) =	sbr.rel @p0 .LBB2_1-.Ltmp1, $4  }
0x8a: {  	[hbm:s8], [sflag:s13] =	dma.local [spmem:s14], $0x2780  }
0x8b: {  	_ =	swait.ge [sflag:s15], $0x2780  }
0x8c: {  	[sflag:s15] =	ssyncset.done $0x0  }
0x8d: {  	[sflag:s15] =	ssyncadd.s32 $0xFFFFD880  }
0x8e: {  	_ =	sfence.sel $0x180000  }
0x8f: {  	[bflag:$0x0] =	sbarrier.arrive $0xFFFF  }
0x90: {  	_ =	strace $0x9000004D  }
0x91: {  	[bflag:$0x2] =	sbarrier.arrive $0xFFFF  }
0x92: {  	p0 =	sne.s32 s2, $0x0;
	s0 =	rddreg [dreg:$0x3]  }
0x93: {  	s0 =	sadd.s32 @!p0 $0x100000, s0  }
0x94: {  	[sflag:s0] =	ssyncadd.tile.s32 @!p0 $0x1;
	_ =	shalt  }
.Lfunc_end2:
_tile_overlayer_lowered:
.L_overlay_start_2:
0x95: {  	(tag) =	ssettag $0x2  }
0x96: {  	s0 =	rddreg [dreg:$0x0];
	s2 =	stileid.u32  }
0x97: {  	s1 =	rddreg [dreg:$0x1];
	p0 =	sne.s32 s2, $0x0  }
0x98: {  	s3 =	rddreg [dreg:$0x2];
	[bflag:$0x3] =	sbarrier.arrive $0xFFFF;
	s2 =	simm.s32 @!p0 $0x1C05  }
0x99: {  	[timem:s3], [sflag:s2] =	dma.local @!p0 [hbm:s0], s1  }
0x9a: {  	s0 =	simm.s32 @!p0 $0x5  }
0x9b: {  	_ =	swait.ge @!p0 [sflag:s0], s1  }
0x9c: {  	s1 =	ssub.s32 @!p0 $0x0, s1;
	[sflag:s0] =	ssyncset.done @!p0 $0x0  }
0x9d: {  	[sflag:s0] =	ssyncadd.s32 @!p0 s1  }
0x9e: {  	[bflag:$0x3] =	sbarrier.arrive $0xFFFF  }
0x9f: {  	_ =	shalt  }

// kernel: kernel.19.cloned.1.call-start
scs
__scs_entry_jumppad:
0x0: {  	(pc) =	sbr.rel $0x88, $3  }
0x1: {  	(tag) =	ssettag $0x0;
	lr =	simm.s32 $0x1  }
0x2: {  	[smem:$0x3F94] =	sst lr;
	_ =	strace $0xD0000000  }
0x3: {  	_ = 	snop  }
0x4: {  	_ = 	snop  }
0x5: {  	_ = 	snop  }
0x6: {  	_ = 	snop  }
0x7: {  	_ = 	snop  }
__scs_overlays_trampoline_lowered:
0x8: {  	[smem:$0x3FA3] =	sst s0  }
0x9: {  	[smem:$0x3FA4] =	sst s1  }
0xa: {  	[smem:$0x3FA5] =	sst s2  }
0xb: {  	[smem:$0x3FA6] =	sst s3  }
0xc: {  	[smem:$0x3FA7] =	sst s4  }
0xd: {  	[smem:$0x3FA8] =	sst s5  }
0xe: {  	[smem:$0x3FA9] =	sst s6  }
0xf: {  	[smem:$0x3FAA] =	sst s7  }
0x10: {  	[smem:$0x3FAB] =	sst s8  }
0x11: {  	[smem:$0x3FAC] =	sst s9;
	s0 =	simm.s32 @!p0 $0x0  }
0x12: {  	s1 =	sld [smem:$0x3F92];
	s0 =	simm.s32 @p0 $0x1  }
0x13: {  	[smem:$0x3FAD] =	sst s0;
	s0 =	simm.s32 @!p1 $0x0  }
0x14: {  	s2 =	sld [smem:$0x3F91];
	s0 =	simm.s32 @p1 $0x1  }
0x15: {  	[smem:$0x3FAE] =	sst s0;
	s0 =	simm.s32 @!p2 $0x0  }
0x16: {  	s3 =	sld [smem:$0x3FDB];
	s0 =	simm.s32 @p2 $0x1  }
0x17: {  	s4 =	simm.s32 $0x1BF5;
	[smem:$0x3FB0] =	sst s0  }
0x18: {  	s0 =	sld [smem:$0x3F93];
	_ =	swait.ge [sflag:s4], $0x0  }
0x19: {  	s7 =	sld [smem:$0x3F94]  }
0x1a: {  	s8 =	sadd.s32 $0xFFFFE003, lr  }
0x1b: {  	s9 =	sadd.s32 $0xFFFFFEF7, lr;
	s5 =	simm.s32 $0xFFFFFFFF;
	p2 =	slt.u32 s8, $0xFFFFF086  }
0x1c: {  	p1 =	slt.u32 s9, $0xF7A;
	s5 =	simm.s32 @!p2 $0x0  }
0x1d: {  	s5 =	simm.s32 @p1 $0x1;
	p0 =	seq.s32 s7, s2  }
0x1e: {  	s7 =	smul.u32 @!p0 $0xF7A, s2;
	p2 =	seq.s32 @!p0 s5, $0x0  }
0x1f: {  	s9 =	smul.u32 $0xF7A, s1;
	s8 =	simm.s32 @!p0 $0x1BF5;
	p2 =	por !p2, p0  }
0x20: {  	[sflag:s8] =	ssyncset.s32 @!p0 $0xFFFFF086;
	s6 =	sadd.s32 @!p0 s3, s7;
	s7 =	simm.s32 @!p0 $0x108  }
0x21: {  	s3 =	sadd.s32 s3, s9;
	s6 =	sadd.s32 @!p0 $0x88, s6;
	s7 =	simm.s32 @p2 $0x1082  }
0x22: {  	[simem:s7], [sflag:s8] =	dma.local @!p0 [hbm:s6], $0xF7A  }
0x23: {  	s9 =	sor.u32 $0xD0000000, s2;
	s6 =	simm.s32 $0x108;
	_ =	swait.ge @!p0 [sflag:s8], $0x0  }
0x24: {  	s3 =	sadd.s32 $0x88, s3;
	s6 =	simm.s32 @!p1 $0x1082;
	[sflag:s4] =	ssyncset.s32 $0xFFFFF086  }
0x25: {  	[simem:s6], [sflag:s4] =	dma.local [hbm:s3], $0xF7A  }
0x26: {  	[smem:$0x3F94] =	sst s1;
	(tag) =	ssettag s2;
	_ =	strace s9  }
0x27: {  	s1 =	sld [smem:$0x3FA4]  }
0x28: {  	s2 =	sld [smem:$0x3FA5]  }
0x29: {  	s4 =	sld [smem:$0x3FA7]  }
0x2a: {  	p0 =	seq.s32 s5, $0x0;
	s5 =	sld [smem:$0x3FA8]  }
0x2b: {  	s6 =	sld [smem:$0x3FA9]  }
0x2c: {  	s7 =	sld [smem:$0x3FAA]  }
0x2d: {  	s3 =	simm.s32 $0x108;
	s8 =	sld [smem:$0x3FAB]  }
0x2e: {  	s3 =	simm.s32 @!p0 $0x1082;
	s9 =	sld [smem:$0x3FAC]  }
0x2f: {  	lr =	sadd.s32 s0, s3;
	s0 =	sld [smem:$0x3FA3]  }
0x30: {  	s3 =	sld [smem:$0x3FA6]  }
0x31: {  	[smem:$0x3FAF] =	sst s10  }
0x32: {  	s10 =	sld [smem:$0x3FAD];
	_ =	sdelay $0x3  }
0x33: {  	p0 =	seq.s32 s10, $0x1;
	s10 =	sld [smem:$0x3FAF];
	_ =	sdelay $0x3  }
0x34: {  	[smem:$0x3FAF] =	sst s10  }
0x35: {  	s10 =	sld [smem:$0x3FAE];
	_ =	sdelay $0x3  }
0x36: {  	p1 =	seq.s32 s10, $0x1;
	s10 =	sld [smem:$0x3FAF];
	_ =	sdelay $0x3  }
0x37: {  	[smem:$0x3FAF] =	sst s10  }
0x38: {  	s10 =	sld [smem:$0x3FB0]  }
0x39: {  	_ = 	snop;
	(pc) =	sbr.ind lr, $3  }
0x3a: {  	_ = 	snop  }
0x3b: {  	_ = 	snop  }
0x3c: {  	p2 =	seq.s32 s10, $0x1;
	s10 =	sld [smem:$0x3FAF]  }
0x3d: {  	_ =	shalt  }
0x3e: {  	_ =	shalt  }
0x3f: {  	_ =	shalt  }
0x40: {  	_ =	shalt  }
0x41: {  	_ =	shalt  }
0x42: {  	_ =	shalt  }
0x43: {  	_ =	shalt  }
0x44: {  	_ =	shalt  }
0x45: {  	_ =	shalt  }
0x46: {  	_ =	shalt  }
0x47: {  	_ =	shalt  }
0x48: {  	_ =	shalt  }
0x49: {  	_ =	shalt  }
0x4a: {  	_ =	shalt  }
0x4b: {  	_ =	shalt  }
0x4c: {  	_ =	shalt  }
0x4d: {  	_ =	shalt  }
0x4e: {  	_ =	shalt  }
0x4f: {  	_ =	shalt  }
0x50: {  	_ =	shalt  }
0x51: {  	_ =	shalt  }
0x52: {  	_ =	shalt  }
0x53: {  	_ =	shalt  }
0x54: {  	_ =	shalt  }
0x55: {  	_ =	shalt  }
0x56: {  	_ =	shalt  }
0x57: {  	_ =	shalt  }
0x58: {  	_ =	shalt  }
0x59: {  	_ =	shalt  }
0x5a: {  	_ =	shalt  }
0x5b: {  	_ =	shalt  }
0x5c: {  	_ =	shalt  }
0x5d: {  	_ =	shalt  }
0x5e: {  	_ =	shalt  }
0x5f: {  	_ =	shalt  }
0x60: {  	_ =	shalt  }
0x61: {  	_ =	shalt  }
0x62: {  	_ =	shalt  }
0x63: {  	_ =	shalt  }
0x64: {  	_ =	shalt  }
0x65: {  	_ =	shalt  }
0x66: {  	_ =	shalt  }
0x67: {  	_ =	shalt  }
0x68: {  	_ =	shalt  }
0x69: {  	_ =	shalt  }
0x6a: {  	_ =	shalt  }
0x6b: {  	_ =	shalt  }
0x6c: {  	_ =	shalt  }
0x6d: {  	_ =	shalt  }
0x6e: {  	_ =	shalt  }
0x6f: {  	_ =	shalt  }
0x70: {  	_ =	shalt  }
0x71: {  	_ =	shalt  }
0x72: {  	_ =	shalt  }
0x73: {  	_ =	shalt  }
0x74: {  	_ =	shalt  }
0x75: {  	_ =	shalt  }
0x76: {  	_ =	shalt  }
0x77: {  	_ =	shalt  }
0x78: {  	_ =	shalt  }
0x79: {  	_ =	shalt  }
0x7a: {  	_ =	shalt  }
0x7b: {  	_ =	shalt  }
0x7c: {  	_ =	shalt  }
0x7d: {  	_ =	shalt  }
0x7e: {  	_ =	shalt  }
0x7f: {  	_ =	shalt  }
0x80: {  	_ =	shalt  }
0x81: {  	_ =	shalt  }
0x82: {  	_ =	shalt  }
0x83: {  	_ =	shalt  }
0x84: {  	_ =	shalt  }
0x85: {  	_ =	shalt  }
0x86: {  	_ =	shalt  }
0x87: {  	_ =	shalt  }
.Lfunc_end0:
.L_simem_size_0:
called_computation.3_lowered:
.L_overlay_start_0:
0x88: {  	s2 =	sld [smem:$0x3FD9]  }
0x89: {  	s3 =	sld [smem:$0x3FFE];
	_ =	sdelay $0x1  }
0x8a: {  	s1 =	srdreg.scid  }
0x8b: {  	s0 =	sand.u32 $0x1, s1  }
0x8c: {  	s17 =	sshll.u32 s0, $0xA;
	s2 =	sadd.s32 s3, s2  }
0x8d: {  	s2 =	sadd.s32 s2, s17  }
0x8e: {  	[smem:$0x3FBB] =	sst s2  }
0x8f: {  	_ = 	snop  }
0x90: {  	s2 =	sld [smem:$0x3FD0];
	(tm) =	ssettm $0x1  }
0x91: {  	s18 =	sld [smem:$0x3FFB];
	_ =	sdelay $0x3  }
0x92: {  	_ =	strace s18  }
0x93: {  	s3 =	sld [smem:$0x3FFC];
	_ =	sdelay $0x3  }
0x94: {  	_ =	strace s3  }
0x95: {  	s3 =	sld [smem:$0x3FFD];
	_ =	sdelay $0x3  }
0x96: {  	_ =	strace s3  }
0x97: {  	_ =	strace $0x8FFFFFFF  }
0x98: {  	s19 =	sld [smem:$0x3FDB];
	_ =	sdelay $0x1  }
0x99: {  	s4 =	simm.s32 $_scs_section_size  }
0x9a: {  	s5 =	simm.s32 $_size__tile_overlayer_lowered;
	s6 =	simm.s32 $_tile_overlayer_lowered  }
0x9b: {  	s22 =	simm.s32 $0x1BFF;
	s21 =	sshll.u32 s6, $0x1;
	s3 =	sadd.s32 s4, s19  }
0x9c: {  	s7 =	simm.s32 $0x0;
	s20 =	sshll.u32 s5, $0x1;
	s5 =	sadd.s32 s21, s3  }
0x9d: {  	[timem:s7], [sflag:s22] =	dma.local [hbm:s5], s20  }
0x9e: {  	_ =	swait.ge [sflag:s22], s20  }
0x9f: {  	s4 =	ssub.s32 $0x0, s20;
	[sflag:s22] =	ssyncset.done $0x0  }
0xa0: {  	[sflag:s22] =	ssyncadd.s32 s4;
	_ =	sdelay $0x1  }
0xa1: {  	s23 =	simm.s32 $0x1B8B  }
0xa2: {  	_ =	swait.ge [sflag:s23], $0x1  }
0xa3: {  	[sflag:s23] =	ssyncset.done $0x0  }
0xa4: {  	s25 =	simm.s32 $0x1B8E;
	s24 =	sld [smem:$0x3FFE];
	[sflag:s23] =	ssyncadd.s32 $0xFFFFFFFF  }
0xa5: {  	s26 =	simm.s32 $execute0_lowered;
	[smem:$0x3FD2] =	sst s25  }
0xa6: {  	s5 =	sshll.u32 s26, $0x1;
	_ =	strace $0x8000004F;
	[dreg:$0x1] =	wrdreg $0xFFFFFFFF  }
0xa7: {  	s28 =	simm.s32 $_size_execute0_lowered;
	s3 =	sadd.s32 s3, s5;
	[dreg:$0x0] =	wrdreg $0x0  }
0xa8: {  	s5 =	sshll.u32 s28, $0x1;
	[dreg:$0x2] =	wrdreg s3  }
0xa9: {  	[dreg:$0x3] =	wrdreg s5  }
0xaa: {  	[dreg:$0x4] =	wrdreg $0xC0  }
0xab: {  	_ =	task [dreg:s7], $0x5FFFF  }
0xac: {  	[dreg:$0x1] =	wrdreg $0xFFFFFFFF  }
0xad: {  	[dreg:$0x0] =	wrdreg $0x60  }
0xae: {  	[dreg:$0x2] =	wrdreg s24  }
0xaf: {  	[dreg:$0x3] =	wrdreg s2  }
0xb0: {  	[dreg:$0x4] =	wrdreg $0xA9000  }
0xb1: {  	[dreg:$0x5] =	wrdreg $0x9  }
0xb2: {  	_ =	task.clear_ibuf [dreg:s7], $0x6FFFF;
	_ =	strace $0x9000004F  }
0xb3: {  	s29 =	simm.s32 $0x9;
	_ =	strace $0x80000051  }
0xb4: {  	_ =	swait.ge [sflag:s29], $0x1  }
0xb5: {  	[sflag:s29] =	ssyncadd.s32 $0xFFFFFFFF  }
0xb6: {  	_ =	strace $0x90000051  }
0xb7: {  	_ =	sfence  }
0xb8: {  	s30 =	sld [smem:$0x0];
	_ =	sdelay $0x2  }
0xb9: {  	s31 =	sshll.u32 s1, $0xD;
	s1 =	sshrl.u32 s1, $0x2  }
0xba: {  	s3 =	sand.u32 $0x4000, s31;
	s1 =	sadd.s32 s1, s30  }
0xbb: {  	s0 =	sor.u32 s3, s0;
	s1 =	sshll.u32 s1, $0x11  }
0xbc: {  	s0 =	sor.u32 s1, s0  }
0xbd: {  	s0 =	sadd.s32 $0x8F2B, s0  }
0xbe: {  	[sflag:s0] =	ssyncadd.remote.s32 $0x1  }
0xbf: {  	_ =	sfence.sel $0xFFFF  }
0xc0: {  	[dreg:$0x0] =	wrdreg $0xFFFFFFFF;
	(pc) =	sbr.abs _section_cstart, $3  }
0xc1: {  	[dreg:$0x1] =	wrdreg $0xFFFFFFFF  }
0xc2: {  	_ =	task.clear_ibuf [dreg:s7], $0x2FFFF;
	_ =	strace $0x9FFFFFFF  }
0xc3: {  	(tm) =	ssettm $0x7FFFFFFF  }
tec
execute0_lowered:
.L_overlay_start_1:
0x0: {  	(tag) =	ssettag $0x1  }
0x1: {  	s5 =	rddreg [dreg:$0x0]  }
0x2: {  	s6 =	rddreg [dreg:$0x1]  }
0x3: {  	s1 =	rddreg [dreg:$0x2];
	s2 =	srdreg.scid  }
0x4: {  	s3 =	simm.s32 $0x0;
	s18 =	simm.s32 $0x2800;
	s7 =	sand.u32 $0x1, s2  }
0x5: {  	s19 =	simm.s32 $0x6900;
	s2 =	stileid.u32;
	s8 =	smul.u32 $0x13C000, s7  }
0x6: {  	s20 =	simm.s32 $0x2880;
	s21 =	simm.s32 $0x1;
	s9 =	smul.u32 $0x13C00, s2  }
0x7: {  	[smem:$0x7FF] =	sst s3;
	s12 =	sadd.s32 $0x3A00, s5;
	s22 =	smul.u32 $0x4F000, s2  }
0x8: {  	s13 =	sadd.s32 $0x35200, s5;
	s4 =	sshll.u32 s7, $0x4;
	s15 =	smul.u32 $0x2780, s2  }
0x9: {  	_ =	strace $0x80000050;
	s14 =	ssub.s32 $0x2, s7;
	s25 =	smul.u32 $0x28000, s7  }
0xa: {  	p0 =	seq.s32 s7, $0x1;
	s17 =	smul.u32 $0x2800, s2;
	s10 =	sor.u32 s2, s4  }
0xb: {  	s31 =	sshll.u32 s2, $0x6;
	s4 =	sadd.s32 $0xDA00, s5;
	s11 =	smul.u32 $0x2800, s10  }
0xc: {  	s23 =	sshrl.u32 s14, $0x1;
	s8 =	sadd.s32 s9, s8;
	s10 =	smul.u32 $0x500, s10  }
0xd: {  	s14 =	ssub.s32 s14, s23;
	s24 =	sshrl.u32 s22, $0x2;
	s28 =	sadd.s32 s17, s25  }
0xe: {  	s17 =	simm.s32 $0x2900;
	s22 =	simm.s32 $0x3;
	s23 =	simm.s32 $0x2  }
0xf: {  	s25 =	simm.s32 $0x2780;
	s8 =	sshrl.u32 s8, $0x3;
	s16 =	sadd.s32 s24, s1  }
0x10: {  	s9 =	smax.u32 s14, $0x1;
	s29 =	sor.u32 $0x100, s28;
	s30 =	sor.u32 $0x80, s28  }
0x11: {  	s24 =	simm.s32 $0x4;
	s8 =	sadd.s32 s8, s5;
	s5 =	sadd.s32 s4, s15  }
0x12: {  	s6 =	sadd.s32 s6, s10;
	s26 =	sshrl.u32 s11, $0x3;
	s11 =	sshrl.u32 s29, $0x3  }
0x13: {  	s14 =	sshrl.u32 s30, $0x3;
	s15 =	simm.s32 $0x5;
	s7 =	sadd.s32 s12, s26  }
0x14: {  	s8 =	sadd.s32 $0x37A00, s8;
	s11 =	sadd.s32 s11, s12;
	s12 =	sadd.s32 s14, s12  }
0x15: {  	s5 =	smov.u32 @p0 s13;
	s13 =	sor.u32 $0x1C05, s31;
	s14 =	sshrl.u32 s16, $0x3  }
0x16: {  	s16 =	simm.s32 $0x80;
	s26 =	simm.s32 $0x0;
	s10 =	sadd.s32 $0x4F0, s7  }
.LBB2_1:
0x17: {  	[spmem:s14], [sflag:s13] =	dma.local [hbm:s5], $0x2780  }
0x18: {  	_ =	swait.ge [sflag:s15], $0x2780  }
0x19: {  	[sflag:s15] =	ssyncset.done $0x0  }
0x1a: {  	[sflag:s15] =	ssyncadd.s32 $0xFFFFD880  }
0x1b: {  	[tilespmem:s3], [sflag:$0x5] =	stream.linear.gather [hbm4b:s6+s3], $0x2800, $0x38;
	[tilespmem:$0x1E500] =	vst v63  }
0x1c: {  	_ =	swait.ge [sflag:s15], $0x2800  }
0x1d: {  	[sflag:s15] =	ssyncset.done $0x0  }
0x1e: {  	[sflag:s15] =	ssyncadd.s32 $0xFFFFD800  }
0x1f: {  	[bflag:$0x0] =	sbarrier.arrive $0xFFFF  }
0x20: {  	[tilespmem:s17], [sflag:$0x1] =	stream.indirect.gather [hbm4b:s4+s16], $0x80, s3, s16, $0xb8;
	[tilespmem:$0x1E500] =	vst v63  }
0x21: {  	_ = 	snop  }
0x22: {  	[tilespmem:s18], [sflag:$0x3] =	stream.linear.gather [hbm4b:s7+s3], $0x80, $0x38;
	[tilespmem:$0x1E500] =	vst v63  }
0x23: {  	s28 =	simm.s32 $0x80  }
0x24: {  	[tilespmem:s19], [sflag:$0x2] =	stream.indirect.gather [hbm4b:s4+s16], $0x80, s28, s16, $0xb8;
	[tilespmem:$0x1E500] =	vst v63  }
0x25: {  	s28 =	sadd.s32 $0x0, s12  }
0x26: {  	[tilespmem:s20], [sflag:$0x4] =	stream.linear.gather [hbm4b:s28+s3], $0x80, $0x38;
	[tilespmem:$0x1E500] =	vst v63  }
0x27: {  	_ =	swait.ge [sflag:s21], $0x4000  }
0x28: {  	[sflag:s21] =	ssyncset.done $0x0  }
0x29: {  	[sflag:s21] =	ssyncadd.s32 $0xFFFFC000  }
0x2a: {  	_ =	swait.ge [sflag:s22], $0x80  }
0x2b: {  	[sflag:s22] =	ssyncset.done $0x0  }
0x2c: {  	[sflag:s22] =	ssyncadd.s32 $0xFFFFFF80  }
0x2d: {  	[spmem:s1] =	stream.indirect.scatter.add.f32 [tilespmem:s17], [sflag:$0x5], $0x80, s18, s16, $0xb8;
	[tilespmem:$0x1E500] =	vst v63  }
0x2e: {  	_ =	swait.ge [sflag:s15], $0x4000  }
0x2f: {  	[sflag:s15] =	ssyncset.done $0x0  }
0x30: {  	s28 =	simm.s32 $0x100;
	[sflag:s15] =	ssyncadd.s32 $0xFFFFC000  }
0x31: {  	[tilespmem:s17], [sflag:$0x1] =	stream.indirect.gather [hbm4b:s4+s16], $0x80, s28, s16, $0xb8;
	[tilespmem:$0x1E500] =	vst v63  }
0x32: {  	s28 =	sadd.s32 $0x0, s11  }
0x33: {  	[tilespmem:s18], [sflag:$0x3] =	stream.linear.gather [hbm4b:s28+s3], $0x80, $0x38;
	[tilespmem:$0x1E500] =	vst v63  }
0x34: {  	_ =	swait.ge [sflag:s23], $0x4000  }
0x35: {  	[sflag:s23] =	ssyncset.done $0x0  }
0x36: {  	[sflag:s23] =	ssyncadd.s32 $0xFFFFC000  }
0x37: {  	_ =	swait.ge [sflag:s24], $0x80  }
0x38: {  	[sflag:s24] =	ssyncset.done $0x0  }
0x39: {  	[sflag:s24] =	ssyncadd.s32 $0xFFFFFF80  }
0x3a: {  	[spmem:s1] =	stream.indirect.scatter.add.f32 [tilespmem:s19], [sflag:$0x5], $0x80, s20, s16, $0xb8;
	[tilespmem:$0x1E500] =	vst v63  }
0x3b: {  	s30 =	simm.s32 $0x40;
	_ =	swait.ge [sflag:s15], $0x4000  }
0x3c: {  	s29 =	simm.s32 $0x200;
	s28 =	simm.s32 $0x20;
	[sflag:s15] =	ssyncset.done $0x0  }
.LBB2_2:
0x3d: {  	p0 =	sne.s32 s30, $0x4C0;
	s31 =	sadd.s32 $0xFFFFFF80, s29;
	[sflag:s15] =	ssyncadd.s32 $0xFFFFC000  }
0x3e: {  	[tilespmem:s19], [sflag:$0x2] =	stream.indirect.gather [hbm4b:s4+s16], $0x80, s31, s16, $0xb8;
	[tilespmem:$0x1E500] =	vst v63  }
0x3f: {  	s0 =	smov.u32 s30;
	s30 =	sadd.s32 $0x20, s30;
	s31 =	sadd.s32 s28, s12  }
0x40: {  	[tilespmem:s20], [sflag:$0x4] =	stream.linear.gather [hbm4b:s31+s3], $0x80, $0x38;
	[tilespmem:$0x1E500] =	vst v63  }
0x41: {  	_ =	swait.ge [sflag:s21], $0x4000  }
0x42: {  	[sflag:s21] =	ssyncset.done $0x0  }
0x43: {  	[sflag:s21] =	ssyncadd.s32 $0xFFFFC000  }
0x44: {  	_ =	swait.ge [sflag:s22], $0x80  }
0x45: {  	[sflag:s22] =	ssyncset.done $0x0  }
0x46: {  	[sflag:s22] =	ssyncadd.s32 $0xFFFFFF80  }
0x47: {  	[spmem:s1] =	stream.indirect.scatter.add.f32 [tilespmem:s17], [sflag:$0x5], $0x80, s18, s16, $0xb8;
	[tilespmem:$0x1E500] =	vst v63  }
0x48: {  	_ =	swait.ge [sflag:s15], $0x4000  }
0x49: {  	[sflag:s15] =	ssyncset.done $0x0  }
0x4a: {  	[sflag:s15] =	ssyncadd.s32 $0xFFFFC000  }
0x4b: {  	[tilespmem:s17], [sflag:$0x1] =	stream.indirect.gather [hbm4b:s4+s16], $0x80, s29, s16, $0xb8;
	[tilespmem:$0x1E500] =	vst v63  }
0x4c: {  	s31 =	sadd.s32 s28, s11;
	s28 =	smov.u32 s0  }
0x4d: {  	[tilespmem:s18], [sflag:$0x3] =	stream.linear.gather [hbm4b:s31+s3], $0x80, $0x38;
	[tilespmem:$0x1E500] =	vst v63  }
0x4e: {  	_ =	swait.ge [sflag:s23], $0x4000  }
0x4f: {  	[sflag:s23] =	ssyncset.done $0x0  }
0x50: {  	[sflag:s23] =	ssyncadd.s32 $0xFFFFC000  }
0x51: {  	_ =	swait.ge [sflag:s24], $0x80  }
.Ltmp0:
0x52: {  	[sflag:s24] =	ssyncset.done $0x0;
	(pc) =	sbr.rel @p0 .LBB2_2-.Ltmp0, $4  }
0x53: {  	[sflag:s24] =	ssyncadd.s32 $0xFFFFFF80  }
0x54: {  	[spmem:s1] =	stream.indirect.scatter.add.f32 [tilespmem:s19], [sflag:$0x5], $0x80, s20, s16, $0xb8;
	[tilespmem:$0x1E500] =	vst v63  }
0x55: {  	_ =	swait.ge [sflag:s15], $0x4000  }
0x56: {  	s29 =	sadd.s32 $0x100, s29;
	[sflag:s15] =	ssyncset.done $0x0  }
0x57: {  	s0 =	sadd.s32 $0xFFFFFF80, s29;
	[sflag:s15] =	ssyncadd.s32 $0xFFFFC000  }
0x58: {  	[tilespmem:s19], [sflag:$0x2] =	stream.indirect.gather [hbm4b:s4+s16], $0x80, s0, s16, $0xb8;
	[tilespmem:$0x1E500] =	vst v63  }
0x59: {  	s30 =	sadd.s32 s28, s12  }
0x5a: {  	[tilespmem:s20], [sflag:$0x4] =	stream.linear.gather [hbm4b:s30+s3], $0x80, $0x38;
	[tilespmem:$0x1E500] =	vst v63  }
0x5b: {  	_ =	swait.ge [sflag:s21], $0x4000  }
0x5c: {  	[sflag:s21] =	ssyncset.done $0x0  }
0x5d: {  	[sflag:s21] =	ssyncadd.s32 $0xFFFFC000  }
0x5e: {  	_ =	swait.ge [sflag:s22], $0x80  }
0x5f: {  	[sflag:s22] =	ssyncset.done $0x0  }
0x60: {  	[sflag:s22] =	ssyncadd.s32 $0xFFFFFF80  }
0x61: {  	[spmem:s1] =	stream.indirect.scatter.add.f32 [tilespmem:s17], [sflag:$0x5], $0x80, s18, s16, $0xb8;
	[tilespmem:$0x1E500] =	vst v63  }
0x62: {  	_ =	swait.ge [sflag:s15], $0x4000  }
0x63: {  	[sflag:s15] =	ssyncset.done $0x0  }
0x64: {  	[sflag:s15] =	ssyncadd.s32 $0xFFFFC000  }
0x65: {  	[tilespmem:s17], [sflag:$0x1] =	stream.indirect.gather [hbm4b:s4+s16], $0x80, s29, s16, $0xb8;
	[tilespmem:$0x1E500] =	vst v63  }
0x66: {  	s31 =	sadd.s32 s28, s11  }
0x67: {  	[tilespmem:s18], [sflag:$0x3] =	stream.linear.gather [hbm4b:s31+s3], $0x80, $0x38;
	[tilespmem:$0x1E500] =	vst v63  }
0x68: {  	_ =	swait.ge [sflag:s23], $0x4000  }
0x69: {  	[sflag:s23] =	ssyncset.done $0x0  }
0x6a: {  	[sflag:s23] =	ssyncadd.s32 $0xFFFFC000  }
0x6b: {  	_ =	swait.ge [sflag:s24], $0x80  }
0x6c: {  	[sflag:s24] =	ssyncset.done $0x0  }
0x6d: {  	[sflag:s24] =	ssyncadd.s32 $0xFFFFFF80  }
0x6e: {  	[spmem:s1] =	stream.indirect.scatter.add.f32 [tilespmem:s19], [sflag:$0x5], $0x80, s20, s16, $0xb8;
	[tilespmem:$0x1E500] =	vst v63  }
0x6f: {  	_ =	swait.ge [sflag:s15], $0x4000  }
0x70: {  	[sflag:s15] =	ssyncset.done $0x0  }
0x71: {  	[sflag:s15] =	ssyncadd.s32 $0xFFFFC000  }
0x72: {  	[tilespmem:s19], [sflag:$0x2] =	stream.indirect.gather [hbm4b:s4+s16], $0x80, s25, s16, $0xb8;
	[tilespmem:$0x1E500] =	vst v63  }
0x73: {  	_ = 	snop  }
0x74: {  	[tilespmem:s20], [sflag:$0x4] =	stream.linear.gather [hbm4b:s10+s3], $0x80, $0x38;
	[tilespmem:$0x1E500] =	vst v63  }
0x75: {  	_ =	swait.ge [sflag:s21], $0x4000  }
0x76: {  	[sflag:s21] =	ssyncset.done $0x0  }
0x77: {  	[sflag:s21] =	ssyncadd.s32 $0xFFFFC000  }
0x78: {  	_ =	swait.ge [sflag:s22], $0x80  }
0x79: {  	[sflag:s22] =	ssyncset.done $0x0  }
0x7a: {  	[sflag:s22] =	ssyncadd.s32 $0xFFFFFF80  }
0x7b: {  	[spmem:s1] =	stream.indirect.scatter.add.f32 [tilespmem:s17], [sflag:$0x5], $0x80, s18, s16, $0xb8;
	[tilespmem:$0x1E500] =	vst v63  }
0x7c: {  	_ =	swait.ge [sflag:s15], $0x4000  }
0x7d: {  	[sflag:s15] =	ssyncset.done $0x0  }
0x7e: {  	[sflag:s15] =	ssyncadd.s32 $0xFFFFC000  }
0x7f: {  	_ =	swait.ge [sflag:s23], $0x4000  }
0x80: {  	[sflag:s23] =	ssyncset.done $0x0  }
0x81: {  	[sflag:s23] =	ssyncadd.s32 $0xFFFFC000  }
0x82: {  	_ =	swait.ge [sflag:s24], $0x80  }
0x83: {  	[sflag:s24] =	ssyncset.done $0x0  }
0x84: {  	[sflag:s24] =	ssyncadd.s32 $0xFFFFFF80  }
0x85: {  	[spmem:s1] =	stream.indirect.scatter.add.f32 [tilespmem:s19], [sflag:$0x5], $0x80, s20, s16, $0xb8;
	[tilespmem:$0x1E500] =	vst v63  }
0x86: {  	_ =	swait.ge [sflag:s15], $0x4000  }
0x87: {  	s26 =	sadd.s32 $0x1, s26;
	[sflag:s15] =	ssyncset.done $0x0  }
0x88: {  	p0 =	sne.s32 s26, s9;
	[sflag:s15] =	ssyncadd.s32 $0xFFFFC000  }
.Ltmp1:
0x89: {  	[bflag:$0x0] =	sbarrier.arrive $0xFFFF;
	(pc) =	sbr.rel @p0 .LBB2_1-.Ltmp1, $4  }
0x8a: {  	[hbm:s8], [sflag:s13] =	dma.local [spmem:s14], $0x2780  }
0x8b: {  	_ =	swait.ge [sflag:s15], $0x2780  }
0x8c: {  	[sflag:s15] =	ssyncset.done $0x0  }
0x8d: {  	[sflag:s15] =	ssyncadd.s32 $0xFFFFD880  }
0x8e: {  	_ =	sfence.sel $0x180000  }
0x8f: {  	[bflag:$0x0] =	sbarrier.arrive $0xFFFF  }
0x90: {  	_ =	strace $0x90000050  }
0x91: {  	[bflag:$0x2] =	sbarrier.arrive $0xFFFF  }
0x92: {  	p0 =	sne.s32 s2, $0x0;
	s0 =	rddreg [dreg:$0x3]  }
0x93: {  	s0 =	sadd.s32 @!p0 $0x100000, s0  }
0x94: {  	[sflag:s0] =	ssyncadd.tile.s32 @!p0 $0x1;
	_ =	shalt  }
.Lfunc_end2:
_tile_overlayer_lowered:
.L_overlay_start_2:
0x95: {  	(tag) =	ssettag $0x2  }
0x96: {  	s0 =	rddreg [dreg:$0x0];
	s2 =	stileid.u32  }
0x97: {  	s1 =	rddreg [dreg:$0x1];
	p0 =	sne.s32 s2, $0x0  }
0x98: {  	s3 =	rddreg [dreg:$0x2];
	[bflag:$0x3] =	sbarrier.arrive $0xFFFF;
	s2 =	simm.s32 @!p0 $0x1C05  }
0x99: {  	[timem:s3], [sflag:s2] =	dma.local @!p0 [hbm:s0], s1  }
0x9a: {  	s0 =	simm.s32 @!p0 $0x5  }
0x9b: {  	_ =	swait.ge @!p0 [sflag:s0], s1  }
0x9c: {  	s1 =	ssub.s32 @!p0 $0x0, s1;
	[sflag:s0] =	ssyncset.done @!p0 $0x0  }
0x9d: {  	[sflag:s0] =	ssyncadd.s32 @!p0 s1  }
0x9e: {  	[bflag:$0x3] =	sbarrier.arrive $0xFFFF  }
0x9f: {  	_ =	shalt  }

</sc_bundles>
